<compile_context>
chip_gen: v7x
topology: tpu7x:2x2x1
jax: 0.10.2.dev20260603
libtpu: 0.0.44.dev20260713+nightly
codegen_flags: <defaults>
</compile_context>

<pallas_src>
import functools

import jax
import jax.numpy as jnp
from jax import lax
from jax.experimental import pallas as pl
from jax.experimental.pallas import tpu as pltpu
from jax.experimental.pallas import tpu_sc as plsc

NUM_CATEGORIES = 1000000
EMBEDDING_DIM = 64
BATCH = 16384
MAX_LABELS = 50

_INFO = plsc.get_sparse_core_info()
NC = _INFO.num_cores
NS = _INFO.num_subcores
NW = NC * NS
L = _INFO.num_lanes

C = 16
ROWS_PER_W = BATCH // NW
CHUNKS_PER_W = ROWS_PER_W // C
JGROUP = 10
NJ = MAX_LABELS // JGROUP
KD = EMBEDDING_DIM // L


def _body(xt_hbm, tbl_hbm, out_hbm, x_v, acc_v, o_v, sem):
    wid = lax.axis_index("s") * NC + lax.axis_index("c")
    zeros = jnp.zeros((L,), jnp.float32)
    ones = jnp.ones((L,), jnp.float32)

    def chunk_body(g, _):
        gg = wid * CHUNKS_PER_W + g
        base = gg * C
        pltpu.sync_copy(xt_hbm.at[gg], x_v)
        for r in range(C):
            for k in range(KD):
                acc_v[r, pl.ds(k * L, L)] = zeros

        def jgroup_body(jo, counts):
            descs = []
            for ji in range(JGROUP):
                j = jo * JGROUP + ji
                col = x_v[j]
                counts = counts + jnp.where(col != 0, ones, zeros)
                descs.append(
                    pltpu.async_copy(tbl_hbm.at[x_v.at[j]], acc_v, sem, add=True)
                )
            for d in descs:
                d.wait()
            return counts

        counts = lax.fori_loop(0, NJ, jgroup_body, zeros)
        recip = ones / (counts + jnp.float32(1e-8))
        for r in range(C):
            s = recip[r]
            for k in range(KD):
                o_v[r, pl.ds(k * L, L)] = acc_v[r, pl.ds(k * L, L)] * s
        pltpu.sync_copy(o_v, out_hbm.at[pl.ds(base, C), :])
        return 0

    lax.fori_loop(0, CHUNKS_PER_W, chunk_body, 0)


_TBLOCK = 4096


def _transpose_body(wt_ref, out_ref):
    t = jnp.transpose(wt_ref[...])
    out_ref[:, 0:EMBEDDING_DIM] = t


def _transpose_pad(wt):
    grid = (NUM_CATEGORIES + _TBLOCK - 1) // _TBLOCK
    return pl.pallas_call(
        _transpose_body,
        grid=(grid,),
        in_specs=[pl.BlockSpec((EMBEDDING_DIM, _TBLOCK), lambda i: (0, i))],
        out_specs=pl.BlockSpec((_TBLOCK, 128), lambda i: (i, 0)),
        out_shape=jax.ShapeDtypeStruct((NUM_CATEGORIES, 128), jnp.float32),
    )(wt)


@jax.jit
def _encode(x, weight):
    mesh = plsc.VectorSubcoreMesh(core_axis_name="c", subcore_axis_name="s")
    f = pl.kernel(
        _body,
        out_type=jax.ShapeDtypeStruct((BATCH, EMBEDDING_DIM), jnp.float32),
        mesh=mesh,
        scratch_types=[
            pltpu.VMEM((MAX_LABELS, C), jnp.int32),
            pltpu.VMEM((C, 128), jnp.float32),
            pltpu.VMEM((C, EMBEDDING_DIM), jnp.float32),
            pltpu.SemaphoreType.DMA,
        ],
        compiler_params=pltpu.CompilerParams(use_tc_tiling_on_sc=True),
    )
    xt = x.reshape(BATCH // C, C, MAX_LABELS).transpose(0, 2, 1)
    wp = _transpose_pad(weight.T)
    return f(xt, wp)


def kernel(x, weight):
    return _encode(x, weight)

# --- scband reference (transcript-rebuilt; emitter-appended) ---
"""Pipeline reference for scband-multi-hot-encoder-36627481101147 (READ-ONLY COPY).

The authoritative reference and input builder live on the scoring server;
editing this copy changes nothing except your own understanding.
"""

import jax, jax.numpy as jnp
import numpy as np

NUM_CATEGORIES = 1000000
EMBEDDING_DIM = 64
BATCH = 16384
MAX_LABELS = 50


def setup_inputs(seed: int = 0) -> dict:
    key = jax.random.key(seed)
    k1, k2 = jax.random.split(key)
    x = jax.random.randint(k1, (BATCH, MAX_LABELS), 0, NUM_CATEGORIES, dtype=jnp.int32)
    # xavier_normal_ init: std = sqrt(2 / (fan_in + fan_out))
    std = float(np.sqrt(2.0 / (NUM_CATEGORIES + EMBEDDING_DIM)))
    weight = jax.random.normal(k2, (NUM_CATEGORIES, EMBEDDING_DIM), dtype=jnp.float32) * std
    # padding_idx=0 row zeroed
    weight = weight.at[0].set(0.0)
    return {"x": x, "weight": weight}


def reference(x, weight):
    # emb = self.embedding(x)
    emb = jnp.take(weight, x, axis=0)  # (B, L, D)
    # mask = (x != 0).float(); mask = mask.unsqueeze(-1)
    mask = (x != 0).astype(jnp.float32)[..., None]  # (B, L, 1)
    # mean pooling
    return (emb * mask).sum(axis=1) / (mask.sum(axis=1) + 1e-08)

if __name__ == "__main__":
    import jax
    _d = setup_inputs()
    print(jax.jit(kernel)(*tuple(_d.values())))

</pallas_src>

<mosaic_0001>
#map = affine_map<(d0, d1) -> (0, 0, 0)>
#map1 = affine_map<(d0, d1) -> (0, 0)>
module attributes {stable_mosaic.version = 14 : i64} {
  func.func @_body(%arg0: i32, %arg1: i32, %arg2: memref<1024x50x16xi32, #tpu.memory_space<hbm>>, %arg3: memref<1000000x128xf32, #tpu.memory_space<hbm>>, %arg4: memref<16384x64xf32, #tpu.memory_space<hbm>>, %arg5: memref<50x16xi32, #tpu.memory_space<vmem>>, %arg6: memref<16x128xf32, #tpu.memory_space<vmem>>, %arg7: memref<16x64xf32, #tpu.memory_space<vmem>>, %arg8: memref<!tpu.dma_semaphore, #tpu.memory_space<semaphore_mem>>) attributes {dimension_semantics = [#tpu.dimension_semantics<core_parallel>, #tpu.dimension_semantics<subcore_parallel>], iteration_bounds = array<i64: 2, 16>, scalar_prefetch = 0 : i64, scratch_operands = 4 : i64, tpu.core_type = #tpu.core_type<sc_vector_subcore>, window_params = [{transform_indices = #map}, {transform_indices = #map1}, {transform_indices = #map1}]} {
    %mul3A = arith.constant 2 : i32
    %mul3A_0 = arith.muli %arg1, %mul3A : i32
    %add3A = arith.addi %mul3A_0, %arg0 : i32
    %broadcast_in_dim3A = arith.constant 0.000000e+00 : f32
    %broadcast_in_dim3A_1 = vector.broadcast %broadcast_in_dim3A : f32 to vector<16xf32>
    %broadcast_in_dim3A_2 = arith.constant 1.000000e+00 : f32
    %broadcast_in_dim3A_3 = vector.broadcast %broadcast_in_dim3A_2 : f32 to vector<16xf32>
    %scan3A = arith.constant 0 : i32
    %scan3A_4 = arith.constant 0 : i32
    %scan3A_5 = arith.constant 32 : i32
    %scan3A_6 = arith.addi %scan3A_4, %scan3A_5 : i32
    %scan3A_7 = arith.constant 1 : i32
    %scan3A_8 = scf.for %scan3A_10 = %scan3A_4 to %scan3A_6 step %scan3A_7 iter_args(%scan3A_11 = %scan3A) -> (i32)  : i32 {
      %mul3A_12 = arith.constant 32 : i32
      %mul3A_13 = arith.muli %add3A, %mul3A_12 : i32
      %add3A_14 = arith.addi %mul3A_13, %scan3A_10 : i32
      %mul3A_15 = arith.constant 16 : i32
      %mul3A_16 = arith.muli %add3A_14, %mul3A_15 : i32
      "tpu.region"() ({
        %run_scoped3A = tpu.sem_alloc : memref<!tpu.dma_semaphore, #tpu.memory_space<semaphore_mem>>
        %dma_start3A = arith.constant 0 : i32
        %dma_start3A_1271 = arith.constant 0 : i32
        %dma_start3A_1272 = tpu.memref_slice %arg2[%add3A_14, %dma_start3A, %dma_start3A_1271] : memref<1024x50x16xi32, #tpu.memory_space<hbm>> -> memref<1x50x16xi32, #tpu.memory_space<hbm>>
        %dma_start3A_1273 = tpu.memref_squeeze %dma_start3A_1272 : memref<1x50x16xi32, #tpu.memory_space<hbm>> -> memref<50x16xi32, #tpu.memory_space<hbm>>
        %dma_start3A_1274 = arith.constant 0 : i32
        %dma_start3A_1275 = arith.constant 0 : i32
        %dma_start3A_1276 = tpu.memref_slice %arg2[%add3A_14, %dma_start3A_1274, %dma_start3A_1275] : memref<1024x50x16xi32, #tpu.memory_space<hbm>> -> memref<1x50x16xi32, #tpu.memory_space<hbm>>
        %dma_start3A_1277 = tpu.memref_squeeze %dma_start3A_1276 : memref<1x50x16xi32, #tpu.memory_space<hbm>> -> memref<50x16xi32, #tpu.memory_space<hbm>>
        tpu.enqueue_dma source(%dma_start3A_1277 : memref<50x16xi32, #tpu.memory_space<hbm>>) target(%arg5 : memref<50x16xi32, #tpu.memory_space<vmem>>) target_semaphore(%run_scoped3A : memref<!tpu.dma_semaphore, #tpu.memory_space<semaphore_mem>>)
        %dma_wait3A = arith.constant 0 : i32
        %dma_wait3A_1278 = arith.constant 0 : i32
        %dma_wait3A_1279 = tpu.memref_slice %arg2[%add3A_14, %dma_wait3A, %dma_wait3A_1278] : memref<1024x50x16xi32, #tpu.memory_space<hbm>> -> memref<1x50x16xi32, #tpu.memory_space<hbm>>
        %dma_wait3A_1280 = tpu.memref_squeeze %dma_wait3A_1279 : memref<1x50x16xi32, #tpu.memory_space<hbm>> -> memref<50x16xi32, #tpu.memory_space<hbm>>
        %dma_wait3A_1281 = arith.constant 0 : i32
        %dma_wait3A_1282 = arith.constant 0 : i32
        %dma_wait3A_1283 = tpu.memref_slice %arg2[%add3A_14, %dma_wait3A_1281, %dma_wait3A_1282] : memref<1024x50x16xi32, #tpu.memory_space<hbm>> -> memref<1x50x16xi32, #tpu.memory_space<hbm>>
        %dma_wait3A_1284 = tpu.memref_squeeze %dma_wait3A_1283 : memref<1x50x16xi32, #tpu.memory_space<hbm>> -> memref<50x16xi32, #tpu.memory_space<hbm>>
        tpu.wait_dma2 semaphore(%run_scoped3A : memref<!tpu.dma_semaphore, #tpu.memory_space<semaphore_mem>>) src(%dma_wait3A_1284 : memref<50x16xi32, #tpu.memory_space<hbm>>) dst(%arg5 : memref<50x16xi32, #tpu.memory_space<vmem>>)
        tpu.yield
      }) : () -> ()
      %swap3A = arith.constant 0 : i32
      %swap3A_17 = arith.index_cast %swap3A : i32 to index
      %swap3A_18 = arith.constant 0 : index
      %swap3A_19 = tpu.vector_load %arg6[%swap3A_17, %swap3A_18] {strides = array<i32>} : memref<16x128xf32, #tpu.memory_space<vmem>>, vector<1x16xf32>,
      %swap3A_20 = vector.shape_cast %swap3A_19 : vector<1x16xf32> to vector<16xf32>
      %swap3A_21 = vector.shape_cast %broadcast_in_dim3A_1 : vector<16xf32> to vector<1x16xf32>
      tpu.vector_store %arg6[%swap3A_17, %swap3A_18], %swap3A_21 {strides = array<i32>} : memref<16x128xf32, #tpu.memory_space<vmem>>, vector<1x16xf32>,
      %swap3A_22 = arith.constant 0 : i32
      %swap3A_23 = arith.index_cast %swap3A_22 : i32 to index
      %swap3A_24 = arith.constant 16 : index
      %swap3A_25 = tpu.vector_load %arg6[%swap3A_23, %swap3A_24] {strides = array<i32>} : memref<16x128xf32, #tpu.memory_space<vmem>>, vector<1x16xf32>,
      %swap3A_26 = vector.shape_cast %swap3A_25 : vector<1x16xf32> to vector<16xf32>
      %swap3A_27 = vector.shape_cast %broadcast_in_dim3A_1 : vector<16xf32> to vector<1x16xf32>
      tpu.vector_store %arg6[%swap3A_23, %swap3A_24], %swap3A_27 {strides = array<i32>} : memref<16x128xf32, #tpu.memory_space<vmem>>, vector<1x16xf32>,
      %swap3A_28 = arith.constant 0 : i32
      %swap3A_29 = arith.index_cast %swap3A_28 : i32 to index
      %swap3A_30 = arith.constant 32 : index
      %swap3A_31 = tpu.vector_load %arg6[%swap3A_29, %swap3A_30] {strides = array<i32>} : memref<16x128xf32, #tpu.memory_space<vmem>>, vector<1x16xf32>,
      %swap3A_32 = vector.shape_cast %swap3A_31 : vector<1x16xf32> to vector<16xf32>
      %swap3A_33 = vector.shape_cast %broadcast_in_dim3A_1 : vector<16xf32> to vector<1x16xf32>
      tpu.vector_store %arg6[%swap3A_29, %swap3A_30], %swap3A_33 {strides = array<i32>} : memref<16x128xf32, #tpu.memory_space<vmem>>, vector<1x16xf32>,
      %swap3A_34 = arith.constant 0 : i32
      %swap3A_35 = arith.index_cast %swap3A_34 : i32 to index
      %swap3A_36 = arith.constant 48 : index
      %swap3A_37 = tpu.vector_load %arg6[%swap3A_35, %swap3A_36] {strides = array<i32>} : memref<16x128xf32, #tpu.memory_space<vmem>>, vector<1x16xf32>,
      %swap3A_38 = vector.shape_cast %swap3A_37 : vector<1x16xf32> to vector<16xf32>
      %swap3A_39 = vector.shape_cast %broadcast_in_dim3A_1 : vector<16xf32> to vector<1x16xf32>
      tpu.vector_store %arg6[%swap3A_35, %swap3A_36], %swap3A_39 {strides = array<i32>} : memref<16x128xf32, #tpu.memory_space<vmem>>, vector<1x16xf32>,
      %swap3A_40 = arith.constant 1 : i32
      %swap3A_41 = arith.index_cast %swap3A_40 : i32 to index
      %swap3A_42 = arith.constant 0 : index
      %swap3A_43 = tpu.vector_load %arg6[%swap3A_41, %swap3A_42] {strides = array<i32>} : memref<16x128xf32, #tpu.memory_space<vmem>>, vector<1x16xf32>,
      %swap3A_44 = vector.shape_cast %swap3A_43 : vector<1x16xf32> to vector<16xf32>
      %swap3A_45 = vector.shape_cast %broadcast_in_dim3A_1 : vector<16xf32> to vector<1x16xf32>
      tpu.vector_store %arg6[%swap3A_41, %swap3A_42], %swap3A_45 {strides = array<i32>} : memref<16x128xf32, #tpu.memory_space<vmem>>, vector<1x16xf32>,
      %swap3A_46 = arith.constant 1 : i32
      %swap3A_47 = arith.index_cast %swap3A_46 : i32 to index
      %swap3A_48 = arith.constant 16 : index
      %swap3A_49 = tpu.vector_load %arg6[%swap3A_47, %swap3A_48] {strides = array<i32>} : memref<16x128xf32, #tpu.memory_space<vmem>>, vector<1x16xf32>,
      %swap3A_50 = vector.shape_cast %swap3A_49 : vector<1x16xf32> to vector<16xf32>
      %swap3A_51 = vector.shape_cast %broadcast_in_dim3A_1 : vector<16xf32> to vector<1x16xf32>
      tpu.vector_store %arg6[%swap3A_47, %swap3A_48], %swap3A_51 {strides = array<i32>} : memref<16x128xf32, #tpu.memory_space<vmem>>, vector<1x16xf32>,
      %swap3A_52 = arith.constant 1 : i32
      %swap3A_53 = arith.index_cast %swap3A_52 : i32 to index
      %swap3A_54 = arith.constant 32 : index
      %swap3A_55 = tpu.vector_load %arg6[%swap3A_53, %swap3A_54] {strides = array<i32>} : memref<16x128xf32, #tpu.memory_space<vmem>>, vector<1x16xf32>,
      %swap3A_56 = vector.shape_cast %swap3A_55 : vector<1x16xf32> to vector<16xf32>
      %swap3A_57 = vector.shape_cast %broadcast_in_dim3A_1 : vector<16xf32> to vector<1x16xf32>
      tpu.vector_store %arg6[%swap3A_53, %swap3A_54], %swap3A_57 {strides = array<i32>} : memref<16x128xf32, #tpu.memory_space<vmem>>, vector<1x16xf32>,
      %swap3A_58 = arith.constant 1 : i32
      %swap3A_59 = arith.index_cast %swap3A_58 : i32 to index
      %swap3A_60 = arith.constant 48 : index
      %swap3A_61 = tpu.vector_load %arg6[%swap3A_59, %swap3A_60] {strides = array<i32>} : memref<16x128xf32, #tpu.memory_space<vmem>>, vector<1x16xf32>,
      %swap3A_62 = vector.shape_cast %swap3A_61 : vector<1x16xf32> to vector<16xf32>
      %swap3A_63 = vector.shape_cast %broadcast_in_dim3A_1 : vector<16xf32> to vector<1x16xf32>
      tpu.vector_store %arg6[%swap3A_59, %swap3A_60], %swap3A_63 {strides = array<i32>} : memref<16x128xf32, #tpu.memory_space<vmem>>, vector<1x16xf32>,
      %swap3A_64 = arith.constant 2 : i32
      %swap3A_65 = arith.index_cast %swap3A_64 : i32 to index
      %swap3A_66 = arith.constant 0 : index
      %swap3A_67 = tpu.vector_load %arg6[%swap3A_65, %swap3A_66] {strides = array<i32>} : memref<16x128xf32, #tpu.memory_space<vmem>>, vector<1x16xf32>,
      %swap3A_68 = vector.shape_cast %swap3A_67 : vector<1x16xf32> to vector<16xf32>
      %swap3A_69 = vector.shape_cast %broadcast_in_dim3A_1 : vector<16xf32> to vector<1x16xf32>
      tpu.vector_store %arg6[%swap3A_65, %swap3A_66], %swap3A_69 {strides = array<i32>} : memref<16x128xf32, #tpu.memory_space<vmem>>, vector<1x16xf32>,
      %swap3A_70 = arith.constant 2 : i32
      %swap3A_71 = arith.index_cast %swap3A_70 : i32 to index
      %swap3A_72 = arith.constant 16 : index
      %swap3A_73 = tpu.vector_load %arg6[%swap3A_71, %swap3A_72] {strides = array<i32>} : memref<16x128xf32, #tpu.memory_space<vmem>>, vector<1x16xf32>,
      %swap3A_74 = vector.shape_cast %swap3A_73 : vector<1x16xf32> to vector<16xf32>
      %swap3A_75 = vector.shape_cast %broadcast_in_dim3A_1 : vector<16xf32> to vector<1x16xf32>
      tpu.vector_store %arg6[%swap3A_71, %swap3A_72], %swap3A_75 {strides = array<i32>} : memref<16x128xf32, #tpu.memory_space<vmem>>, vector<1x16xf32>,
      %swap3A_76 = arith.constant 2 : i32
      %swap3A_77 = arith.index_cast %swap3A_76 : i32 to index
      %swap3A_78 = arith.constant 32 : index
      %swap3A_79 = tpu.vector_load %arg6[%swap3A_77, %swap3A_78] {strides = array<i32>} : memref<16x128xf32, #tpu.memory_space<vmem>>, vector<1x16xf32>,
      %swap3A_80 = vector.shape_cast %swap3A_79 : vector<1x16xf32> to vector<16xf32>
      %swap3A_81 = vector.shape_cast %broadcast_in_dim3A_1 : vector<16xf32> to vector<1x16xf32>
      tpu.vector_store %arg6[%swap3A_77, %swap3A_78], %swap3A_81 {strides = array<i32>} : memref<16x128xf32, #tpu.memory_space<vmem>>, vector<1x16xf32>,
      %swap3A_82 = arith.constant 2 : i32
      %swap3A_83 = arith.index_cast %swap3A_82 : i32 to index
      %swap3A_84 = arith.constant 48 : index
      %swap3A_85 = tpu.vector_load %arg6[%swap3A_83, %swap3A_84] {strides = array<i32>} : memref<16x128xf32, #tpu.memory_space<vmem>>, vector<1x16xf32>,
      %swap3A_86 = vector.shape_cast %swap3A_85 : vector<1x16xf32> to vector<16xf32>
      %swap3A_87 = vector.shape_cast %broadcast_in_dim3A_1 : vector<16xf32> to vector<1x16xf32>
      tpu.vector_store %arg6[%swap3A_83, %swap3A_84], %swap3A_87 {strides = array<i32>} : memref<16x128xf32, #tpu.memory_space<vmem>>, vector<1x16xf32>,
      %swap3A_88 = arith.constant 3 : i32
      %swap3A_89 = arith.index_cast %swap3A_88 : i32 to index
      %swap3A_90 = arith.constant 0 : index
      %swap3A_91 = tpu.vector_load %arg6[%swap3A_89, %swap3A_90] {strides = array<i32>} : memref<16x128xf32, #tpu.memory_space<vmem>>, vector<1x16xf32>,
      %swap3A_92 = vector.shape_cast %swap3A_91 : vector<1x16xf32> to vector<16xf32>
      %swap3A_93 = vector.shape_cast %broadcast_in_dim3A_1 : vector<16xf32> to vector<1x16xf32>
      tpu.vector_store %arg6[%swap3A_89, %swap3A_90], %swap3A_93 {strides = array<i32>} : memref<16x128xf32, #tpu.memory_space<vmem>>, vector<1x16xf32>,
      %swap3A_94 = arith.constant 3 : i32
      %swap3A_95 = arith.index_cast %swap3A_94 : i32 to index
      %swap3A_96 = arith.constant 16 : index
      %swap3A_97 = tpu.vector_load %arg6[%swap3A_95, %swap3A_96] {strides = array<i32>} : memref<16x128xf32, #tpu.memory_space<vmem>>, vector<1x16xf32>,
      %swap3A_98 = vector.shape_cast %swap3A_97 : vector<1x16xf32> to vector<16xf32>
      %swap3A_99 = vector.shape_cast %broadcast_in_dim3A_1 : vector<16xf32> to vector<1x16xf32>
      tpu.vector_store %arg6[%swap3A_95, %swap3A_96], %swap3A_99 {strides = array<i32>} : memref<16x128xf32, #tpu.memory_space<vmem>>, vector<1x16xf32>,
      %swap3A_100 = arith.constant 3 : i32
      %swap3A_101 = arith.index_cast %swap3A_100 : i32 to index
      %swap3A_102 = arith.constant 32 : index
      %swap3A_103 = tpu.vector_load %arg6[%swap3A_101, %swap3A_102] {strides = array<i32>} : memref<16x128xf32, #tpu.memory_space<vmem>>, vector<1x16xf32>,
      %swap3A_104 = vector.shape_cast %swap3A_103 : vector<1x16xf32> to vector<16xf32>
      %swap3A_105 = vector.shape_cast %broadcast_in_dim3A_1 : vector<16xf32> to vector<1x16xf32>
      tpu.vector_store %arg6[%swap3A_101, %swap3A_102], %swap3A_105 {strides = array<i32>} : memref<16x128xf32, #tpu.memory_space<vmem>>, vector<1x16xf32>,
      %swap3A_106 = arith.constant 3 : i32
      %swap3A_107 = arith.index_cast %swap3A_106 : i32 to index
      %swap3A_108 = arith.constant 48 : index
      %swap3A_109 = tpu.vector_load %arg6[%swap3A_107, %swap3A_108] {strides = array<i32>} : memref<16x128xf32, #tpu.memory_space<vmem>>, vector<1x16xf32>,
      %swap3A_110 = vector.shape_cast %swap3A_109 : vector<1x16xf32> to vector<16xf32>
      %swap3A_111 = vector.shape_cast %broadcast_in_dim3A_1 : vector<16xf32> to vector<1x16xf32>
      tpu.vector_store %arg6[%swap3A_107, %swap3A_108], %swap3A_111 {strides = array<i32>} : memref<16x128xf32, #tpu.memory_space<vmem>>, vector<1x16xf32>,
      %swap3A_112 = arith.constant 4 : i32
      %swap3A_113 = arith.index_cast %swap3A_112 : i32 to index
      %swap3A_114 = arith.constant 0 : index
      %swap3A_115 = tpu.vector_load %arg6[%swap3A_113, %swap3A_114] {strides = array<i32>} : memref<16x128xf32, #tpu.memory_space<vmem>>, vector<1x16xf32>,
      %swap3A_116 = vector.shape_cast %swap3A_115 : vector<1x16xf32> to vector<16xf32>
      %swap3A_117 = vector.shape_cast %broadcast_in_dim3A_1 : vector<16xf32> to vector<1x16xf32>
      tpu.vector_store %arg6[%swap3A_113, %swap3A_114], %swap3A_117 {strides = array<i32>} : memref<16x128xf32, #tpu.memory_space<vmem>>, vector<1x16xf32>,
      %swap3A_118 = arith.constant 4 : i32
      %swap3A_119 = arith.index_cast %swap3A_118 : i32 to index
      %swap3A_120 = arith.constant 16 : index
      %swap3A_121 = tpu.vector_load %arg6[%swap3A_119, %swap3A_120] {strides = array<i32>} : memref<16x128xf32, #tpu.memory_space<vmem>>, vector<1x16xf32>,
      %swap3A_122 = vector.shape_cast %swap3A_121 : vector<1x16xf32> to vector<16xf32>
      %swap3A_123 = vector.shape_cast %broadcast_in_dim3A_1 : vector<16xf32> to vector<1x16xf32>
      tpu.vector_store %arg6[%swap3A_119, %swap3A_120], %swap3A_123 {strides = array<i32>} : memref<16x128xf32, #tpu.memory_space<vmem>>, vector<1x16xf32>,
      %swap3A_124 = arith.constant 4 : i32
      %swap3A_125 = arith.index_cast %swap3A_124 : i32 to index
      %swap3A_126 = arith.constant 32 : index
      %swap3A_127 = tpu.vector_load %arg6[%swap3A_125, %swap3A_126] {strides = array<i32>} : memref<16x128xf32, #tpu.memory_space<vmem>>, vector<1x16xf32>,
      %swap3A_128 = vector.shape_cast %swap3A_127 : vector<1x16xf32> to vector<16xf32>
      %swap3A_129 = vector.shape_cast %broadcast_in_dim3A_1 : vector<16xf32> to vector<1x16xf32>
      tpu.vector_store %arg6[%swap3A_125, %swap3A_126], %swap3A_129 {strides = array<i32>} : memref<16x128xf32, #tpu.memory_space<vmem>>, vector<1x16xf32>,
      %swap3A_130 = arith.constant 4 : i32
      %swap3A_131 = arith.index_cast %swap3A_130 : i32 to index
      %swap3A_132 = arith.constant 48 : index
      %swap3A_133 = tpu.vector_load %arg6[%swap3A_131, %swap3A_132] {strides = array<i32>} : memref<16x128xf32, #tpu.memory_space<vmem>>, vector<1x16xf32>,
      %swap3A_134 = vector.shape_cast %swap3A_133 : vector<1x16xf32> to vector<16xf32>
      %swap3A_135 = vector.shape_cast %broadcast_in_dim3A_1 : vector<16xf32> to vector<1x16xf32>
      tpu.vector_store %arg6[%swap3A_131, %swap3A_132], %swap3A_135 {strides = array<i32>} : memref<16x128xf32, #tpu.memory_space<vmem>>, vector<1x16xf32>,
      %swap3A_136 = arith.constant 5 : i32
      %swap3A_137 = arith.index_cast %swap3A_136 : i32 to index
      %swap3A_138 = arith.constant 0 : index
      %swap3A_139 = tpu.vector_load %arg6[%swap3A_137, %swap3A_138] {strides = array<i32>} : memref<16x128xf32, #tpu.memory_space<vmem>>, vector<1x16xf32>,
      %swap3A_140 = vector.shape_cast %swap3A_139 : vector<1x16xf32> to vector<16xf32>
      %swap3A_141 = vector.shape_cast %broadcast_in_dim3A_1 : vector<16xf32> to vector<1x16xf32>
      tpu.vector_store %arg6[%swap3A_137, %swap3A_138], %swap3A_141 {strides = array<i32>} : memref<16x128xf32, #tpu.memory_space<vmem>>, vector<1x16xf32>,
      %swap3A_142 = arith.constant 5 : i32
      %swap3A_143 = arith.index_cast %swap3A_142 : i32 to index
      %swap3A_144 = arith.constant 16 : index
      %swap3A_145 = tpu.vector_load %arg6[%swap3A_143, %swap3A_144] {strides = array<i32>} : memref<16x128xf32, #tpu.memory_space<vmem>>, vector<1x16xf32>,
      %swap3A_146 = vector.shape_cast %swap3A_145 : vector<1x16xf32> to vector<16xf32>
      %swap3A_147 = vector.shape_cast %broadcast_in_dim3A_1 : vector<16xf32> to vector<1x16xf32>
      tpu.vector_store %arg6[%swap3A_143, %swap3A_144], %swap3A_147 {strides = array<i32>} : memref<16x128xf32, #tpu.memory_space<vmem>>, vector<1x16xf32>,
      %swap3A_148 = arith.constant 5 : i32
      %swap3A_149 = arith.index_cast %swap3A_148 : i32 to index
      %swap3A_150 = arith.constant 32 : index
      %swap3A_151 = tpu.vector_load %arg6[%swap3A_149, %swap3A_150] {strides = array<i32>} : memref<16x128xf32, #tpu.memory_space<vmem>>, vector<1x16xf32>,
      %swap3A_152 = vector.shape_cast %swap3A_151 : vector<1x16xf32> to vector<16xf32>
      %swap3A_153 = vector.shape_cast %broadcast_in_dim3A_1 : vector<16xf32> to vector<1x16xf32>
      tpu.vector_store %arg6[%swap3A_149, %swap3A_150], %swap3A_153 {strides = array<i32>} : memref<16x128xf32, #tpu.memory_space<vmem>>, vector<1x16xf32>,
      %swap3A_154 = arith.constant 5 : i32
      %swap3A_155 = arith.index_cast %swap3A_154 : i32 to index
      %swap3A_156 = arith.constant 48 : index
      %swap3A_157 = tpu.vector_load %arg6[%swap3A_155, %swap3A_156] {strides = array<i32>} : memref<16x128xf32, #tpu.memory_space<vmem>>, vector<1x16xf32>,
      %swap3A_158 = vector.shape_cast %swap3A_157 : vector<1x16xf32> to vector<16xf32>
      %swap3A_159 = vector.shape_cast %broadcast_in_dim3A_1 : vector<16xf32> to vector<1x16xf32>
      tpu.vector_store %arg6[%swap3A_155, %swap3A_156], %swap3A_159 {strides = array<i32>} : memref<16x128xf32, #tpu.memory_space<vmem>>, vector<1x16xf32>,
      %swap3A_160 = arith.constant 6 : i32
      %swap3A_161 = arith.index_cast %swap3A_160 : i32 to index
      %swap3A_162 = arith.constant 0 : index
      %swap3A_163 = tpu.vector_load %arg6[%swap3A_161, %swap3A_162] {strides = array<i32>} : memref<16x128xf32, #tpu.memory_space<vmem>>, vector<1x16xf32>,
      %swap3A_164 = vector.shape_cast %swap3A_163 : vector<1x16xf32> to vector<16xf32>
      %swap3A_165 = vector.shape_cast %broadcast_in_dim3A_1 : vector<16xf32> to vector<1x16xf32>
      tpu.vector_store %arg6[%swap3A_161, %swap3A_162], %swap3A_165 {strides = array<i32>} : memref<16x128xf32, #tpu.memory_space<vmem>>, vector<1x16xf32>,
      %swap3A_166 = arith.constant 6 : i32
      %swap3A_167 = arith.index_cast %swap3A_166 : i32 to index
      %swap3A_168 = arith.constant 16 : index
      %swap3A_169 = tpu.vector_load %arg6[%swap3A_167, %swap3A_168] {strides = array<i32>} : memref<16x128xf32, #tpu.memory_space<vmem>>, vector<1x16xf32>,
      %swap3A_170 = vector.shape_cast %swap3A_169 : vector<1x16xf32> to vector<16xf32>
      %swap3A_171 = vector.shape_cast %broadcast_in_dim3A_1 : vector<16xf32> to vector<1x16xf32>
      tpu.vector_store %arg6[%swap3A_167, %swap3A_168], %swap3A_171 {strides = array<i32>} : memref<16x128xf32, #tpu.memory_space<vmem>>, vector<1x16xf32>,
      %swap3A_172 = arith.constant 6 : i32
      %swap3A_173 = arith.index_cast %swap3A_172 : i32 to index
      %swap3A_174 = arith.constant 32 : index
      %swap3A_175 = tpu.vector_load %arg6[%swap3A_173, %swap3A_174] {strides = array<i32>} : memref<16x128xf32, #tpu.memory_space<vmem>>, vector<1x16xf32>,
      %swap3A_176 = vector.shape_cast %swap3A_175 : vector<1x16xf32> to vector<16xf32>
      %swap3A_177 = vector.shape_cast %broadcast_in_dim3A_1 : vector<16xf32> to vector<1x16xf32>
      tpu.vector_store %arg6[%swap3A_173, %swap3A_174], %swap3A_177 {strides = array<i32>} : memref<16x128xf32, #tpu.memory_space<vmem>>, vector<1x16xf32>,
      %swap3A_178 = arith.constant 6 : i32
      %swap3A_179 = arith.index_cast %swap3A_178 : i32 to index
      %swap3A_180 = arith.constant 48 : index
      %swap3A_181 = tpu.vector_load %arg6[%swap3A_179, %swap3A_180] {strides = array<i32>} : memref<16x128xf32, #tpu.memory_space<vmem>>, vector<1x16xf32>,
      %swap3A_182 = vector.shape_cast %swap3A_181 : vector<1x16xf32> to vector<16xf32>
      %swap3A_183 = vector.shape_cast %broadcast_in_dim3A_1 : vector<16xf32> to vector<1x16xf32>
      tpu.vector_store %arg6[%swap3A_179, %swap3A_180], %swap3A_183 {strides = array<i32>} : memref<16x128xf32, #tpu.memory_space<vmem>>, vector<1x16xf32>,
      %swap3A_184 = arith.constant 7 : i32
      %swap3A_185 = arith.index_cast %swap3A_184 : i32 to index
      %swap3A_186 = arith.constant 0 : index
      %swap3A_187 = tpu.vector_load %arg6[%swap3A_185, %swap3A_186] {strides = array<i32>} : memref<16x128xf32, #tpu.memory_space<vmem>>, vector<1x16xf32>,
      %swap3A_188 = vector.shape_cast %swap3A_187 : vector<1x16xf32> to vector<16xf32>
      %swap3A_189 = vector.shape_cast %broadcast_in_dim3A_1 : vector<16xf32> to vector<1x16xf32>
      tpu.vector_store %arg6[%swap3A_185, %swap3A_186], %swap3A_189 {strides = array<i32>} : memref<16x128xf32, #tpu.memory_space<vmem>>, vector<1x16xf32>,
      %swap3A_190 = arith.constant 7 : i32
      %swap3A_191 = arith.index_cast %swap3A_190 : i32 to index
      %swap3A_192 = arith.constant 16 : index
      %swap3A_193 = tpu.vector_load %arg6[%swap3A_191, %swap3A_192] {strides = array<i32>} : memref<16x128xf32, #tpu.memory_space<vmem>>, vector<1x16xf32>,
      %swap3A_194 = vector.shape_cast %swap3A_193 : vector<1x16xf32> to vector<16xf32>
      %swap3A_195 = vector.shape_cast %broadcast_in_dim3A_1 : vector<16xf32> to vector<1x16xf32>
      tpu.vector_store %arg6[%swap3A_191, %swap3A_192], %swap3A_195 {strides = array<i32>} : memref<16x128xf32, #tpu.memory_space<vmem>>, vector<1x16xf32>,
      %swap3A_196 = arith.constant 7 : i32
      %swap3A_197 = arith.index_cast %swap3A_196 : i32 to index
      %swap3A_198 = arith.constant 32 : index
      %swap3A_199 = tpu.vector_load %arg6[%swap3A_197, %swap3A_198] {strides = array<i32>} : memref<16x128xf32, #tpu.memory_space<vmem>>, vector<1x16xf32>,
      %swap3A_200 = vector.shape_cast %swap3A_199 : vector<1x16xf32> to vector<16xf32>
      %swap3A_201 = vector.shape_cast %broadcast_in_dim3A_1 : vector<16xf32> to vector<1x16xf32>
      tpu.vector_store %arg6[%swap3A_197, %swap3A_198], %swap3A_201 {strides = array<i32>} : memref<16x128xf32, #tpu.memory_space<vmem>>, vector<1x16xf32>,
      %swap3A_202 = arith.constant 7 : i32
      %swap3A_203 = arith.index_cast %swap3A_202 : i32 to index
      %swap3A_204 = arith.constant 48 : index
      %swap3A_205 = tpu.vector_load %arg6[%swap3A_203, %swap3A_204] {strides = array<i32>} : memref<16x128xf32, #tpu.memory_space<vmem>>, vector<1x16xf32>,
      %swap3A_206 = vector.shape_cast %swap3A_205 : vector<1x16xf32> to vector<16xf32>
      %swap3A_207 = vector.shape_cast %broadcast_in_dim3A_1 : vector<16xf32> to vector<1x16xf32>
      tpu.vector_store %arg6[%swap3A_203, %swap3A_204], %swap3A_207 {strides = array<i32>} : memref<16x128xf32, #tpu.memory_space<vmem>>, vector<1x16xf32>,
      %swap3A_208 = arith.constant 8 : i32
      %swap3A_209 = arith.index_cast %swap3A_208 : i32 to index
      %swap3A_210 = arith.constant 0 : index
      %swap3A_211 = tpu.vector_load %arg6[%swap3A_209, %swap3A_210] {strides = array<i32>} : memref<16x128xf32, #tpu.memory_space<vmem>>, vector<1x16xf32>,
      %swap3A_212 = vector.shape_cast %swap3A_211 : vector<1x16xf32> to vector<16xf32>
      %swap3A_213 = vector.shape_cast %broadcast_in_dim3A_1 : vector<16xf32> to vector<1x16xf32>
      tpu.vector_store %arg6[%swap3A_209, %swap3A_210], %swap3A_213 {strides = array<i32>} : memref<16x128xf32, #tpu.memory_space<vmem>>, vector<1x16xf32>,
      %swap3A_214 = arith.constant 8 : i32
      %swap3A_215 = arith.index_cast %swap3A_214 : i32 to index
      %swap3A_216 = arith.constant 16 : index
      %swap3A_217 = tpu.vector_load %arg6[%swap3A_215, %swap3A_216] {strides = array<i32>} : memref<16x128xf32, #tpu.memory_space<vmem>>, vector<1x16xf32>,
      %swap3A_218 = vector.shape_cast %swap3A_217 : vector<1x16xf32> to vector<16xf32>
      %swap3A_219 = vector.shape_cast %broadcast_in_dim3A_1 : vector<16xf32> to vector<1x16xf32>
      tpu.vector_store %arg6[%swap3A_215, %swap3A_216], %swap3A_219 {strides = array<i32>} : memref<16x128xf32, #tpu.memory_space<vmem>>, vector<1x16xf32>,
      %swap3A_220 = arith.constant 8 : i32
      %swap3A_221 = arith.index_cast %swap3A_220 : i32 to index
      %swap3A_222 = arith.constant 32 : index
      %swap3A_223 = tpu.vector_load %arg6[%swap3A_221, %swap3A_222] {strides = array<i32>} : memref<16x128xf32, #tpu.memory_space<vmem>>, vector<1x16xf32>,
      %swap3A_224 = vector.shape_cast %swap3A_223 : vector<1x16xf32> to vector<16xf32>
      %swap3A_225 = vector.shape_cast %broadcast_in_dim3A_1 : vector<16xf32> to vector<1x16xf32>
      tpu.vector_store %arg6[%swap3A_221, %swap3A_222], %swap3A_225 {strides = array<i32>} : memref<16x128xf32, #tpu.memory_space<vmem>>, vector<1x16xf32>,
      %swap3A_226 = arith.constant 8 : i32
      %swap3A_227 = arith.index_cast %swap3A_226 : i32 to index
      %swap3A_228 = arith.constant 48 : index
      %swap3A_229 = tpu.vector_load %arg6[%swap3A_227, %swap3A_228] {strides = array<i32>} : memref<16x128xf32, #tpu.memory_space<vmem>>, vector<1x16xf32>,
      %swap3A_230 = vector.shape_cast %swap3A_229 : vector<1x16xf32> to vector<16xf32>
      %swap3A_231 = vector.shape_cast %broadcast_in_dim3A_1 : vector<16xf32> to vector<1x16xf32>
      tpu.vector_store %arg6[%swap3A_227, %swap3A_228], %swap3A_231 {strides = array<i32>} : memref<16x128xf32, #tpu.memory_space<vmem>>, vector<1x16xf32>,
      %swap3A_232 = arith.constant 9 : i32
      %swap3A_233 = arith.index_cast %swap3A_232 : i32 to index
      %swap3A_234 = arith.constant 0 : index
      %swap3A_235 = tpu.vector_load %arg6[%swap3A_233, %swap3A_234] {strides = array<i32>} : memref<16x128xf32, #tpu.memory_space<vmem>>, vector<1x16xf32>,
      %swap3A_236 = vector.shape_cast %swap3A_235 : vector<1x16xf32> to vector<16xf32>
      %swap3A_237 = vector.shape_cast %broadcast_in_dim3A_1 : vector<16xf32> to vector<1x16xf32>
      tpu.vector_store %arg6[%swap3A_233, %swap3A_234], %swap3A_237 {strides = array<i32>} : memref<16x128xf32, #tpu.memory_space<vmem>>, vector<1x16xf32>,
      %swap3A_238 = arith.constant 9 : i32
      %swap3A_239 = arith.index_cast %swap3A_238 : i32 to index
      %swap3A_240 = arith.constant 16 : index
      %swap3A_241 = tpu.vector_load %arg6[%swap3A_239, %swap3A_240] {strides = array<i32>} : memref<16x128xf32, #tpu.memory_space<vmem>>, vector<1x16xf32>,
      %swap3A_242 = vector.shape_cast %swap3A_241 : vector<1x16xf32> to vector<16xf32>
      %swap3A_243 = vector.shape_cast %broadcast_in_dim3A_1 : vector<16xf32> to vector<1x16xf32>
      tpu.vector_store %arg6[%swap3A_239, %swap3A_240], %swap3A_243 {strides = array<i32>} : memref<16x128xf32, #tpu.memory_space<vmem>>, vector<1x16xf32>,
      %swap3A_244 = arith.constant 9 : i32
      %swap3A_245 = arith.index_cast %swap3A_244 : i32 to index
      %swap3A_246 = arith.constant 32 : index
      %swap3A_247 = tpu.vector_load %arg6[%swap3A_245, %swap3A_246] {strides = array<i32>} : memref<16x128xf32, #tpu.memory_space<vmem>>, vector<1x16xf32>,
      %swap3A_248 = vector.shape_cast %swap3A_247 : vector<1x16xf32> to vector<16xf32>
      %swap3A_249 = vector.shape_cast %broadcast_in_dim3A_1 : vector<16xf32> to vector<1x16xf32>
      tpu.vector_store %arg6[%swap3A_245, %swap3A_246], %swap3A_249 {strides = array<i32>} : memref<16x128xf32, #tpu.memory_space<vmem>>, vector<1x16xf32>,
      %swap3A_250 = arith.constant 9 : i32
      %swap3A_251 = arith.index_cast %swap3A_250 : i32 to index
      %swap3A_252 = arith.constant 48 : index
      %swap3A_253 = tpu.vector_load %arg6[%swap3A_251, %swap3A_252] {strides = array<i32>} : memref<16x128xf32, #tpu.memory_space<vmem>>, vector<1x16xf32>,
      %swap3A_254 = vector.shape_cast %swap3A_253 : vector<1x16xf32> to vector<16xf32>
      %swap3A_255 = vector.shape_cast %broadcast_in_dim3A_1 : vector<16xf32> to vector<1x16xf32>
      tpu.vector_store %arg6[%swap3A_251, %swap3A_252], %swap3A_255 {strides = array<i32>} : memref<16x128xf32, #tpu.memory_space<vmem>>, vector<1x16xf32>,
      %swap3A_256 = arith.constant 10 : i32
      %swap3A_257 = arith.index_cast %swap3A_256 : i32 to index
      %swap3A_258 = arith.constant 0 : index
      %swap3A_259 = tpu.vector_load %arg6[%swap3A_257, %swap3A_258] {strides = array<i32>} : memref<16x128xf32, #tpu.memory_space<vmem>>, vector<1x16xf32>,
      %swap3A_260 = vector.shape_cast %swap3A_259 : vector<1x16xf32> to vector<16xf32>
      %swap3A_261 = vector.shape_cast %broadcast_in_dim3A_1 : vector<16xf32> to vector<1x16xf32>
      tpu.vector_store %arg6[%swap3A_257, %swap3A_258], %swap3A_261 {strides = array<i32>} : memref<16x128xf32, #tpu.memory_space<vmem>>, vector<1x16xf32>,
      %swap3A_262 = arith.constant 10 : i32
      %swap3A_263 = arith.index_cast %swap3A_262 : i32 to index
      %swap3A_264 = arith.constant 16 : index
      %swap3A_265 = tpu.vector_load %arg6[%swap3A_263, %swap3A_264] {strides = array<i32>} : memref<16x128xf32, #tpu.memory_space<vmem>>, vector<1x16xf32>,
      %swap3A_266 = vector.shape_cast %swap3A_265 : vector<1x16xf32> to vector<16xf32>
      %swap3A_267 = vector.shape_cast %broadcast_in_dim3A_1 : vector<16xf32> to vector<1x16xf32>
      tpu.vector_store %arg6[%swap3A_263, %swap3A_264], %swap3A_267 {strides = array<i32>} : memref<16x128xf32, #tpu.memory_space<vmem>>, vector<1x16xf32>,
      %swap3A_268 = arith.constant 10 : i32
      %swap3A_269 = arith.index_cast %swap3A_268 : i32 to index
      %swap3A_270 = arith.constant 32 : index
      %swap3A_271 = tpu.vector_load %arg6[%swap3A_269, %swap3A_270] {strides = array<i32>} : memref<16x128xf32, #tpu.memory_space<vmem>>, vector<1x16xf32>,
      %swap3A_272 = vector.shape_cast %swap3A_271 : vector<1x16xf32> to vector<16xf32>
      %swap3A_273 = vector.shape_cast %broadcast_in_dim3A_1 : vector<16xf32> to vector<1x16xf32>
      tpu.vector_store %arg6[%swap3A_269, %swap3A_270], %swap3A_273 {strides = array<i32>} : memref<16x128xf32, #tpu.memory_space<vmem>>, vector<1x16xf32>,
      %swap3A_274 = arith.constant 10 : i32
      %swap3A_275 = arith.index_cast %swap3A_274 : i32 to index
      %swap3A_276 = arith.constant 48 : index
      %swap3A_277 = tpu.vector_load %arg6[%swap3A_275, %swap3A_276] {strides = array<i32>} : memref<16x128xf32, #tpu.memory_space<vmem>>, vector<1x16xf32>,
      %swap3A_278 = vector.shape_cast %swap3A_277 : vector<1x16xf32> to vector<16xf32>
      %swap3A_279 = vector.shape_cast %broadcast_in_dim3A_1 : vector<16xf32> to vector<1x16xf32>
      tpu.vector_store %arg6[%swap3A_275, %swap3A_276], %swap3A_279 {strides = array<i32>} : memref<16x128xf32, #tpu.memory_space<vmem>>, vector<1x16xf32>,
      %swap3A_280 = arith.constant 11 : i32
      %swap3A_281 = arith.index_cast %swap3A_280 : i32 to index
      %swap3A_282 = arith.constant 0 : index
      %swap3A_283 = tpu.vector_load %arg6[%swap3A_281, %swap3A_282] {strides = array<i32>} : memref<16x128xf32, #tpu.memory_space<vmem>>, vector<1x16xf32>,
      %swap3A_284 = vector.shape_cast %swap3A_283 : vector<1x16xf32> to vector<16xf32>
      %swap3A_285 = vector.shape_cast %broadcast_in_dim3A_1 : vector<16xf32> to vector<1x16xf32>
      tpu.vector_store %arg6[%swap3A_281, %swap3A_282], %swap3A_285 {strides = array<i32>} : memref<16x128xf32, #tpu.memory_space<vmem>>, vector<1x16xf32>,
      %swap3A_286 = arith.constant 11 : i32
      %swap3A_287 = arith.index_cast %swap3A_286 : i32 to index
      %swap3A_288 = arith.constant 16 : index
      %swap3A_289 = tpu.vector_load %arg6[%swap3A_287, %swap3A_288] {strides = array<i32>} : memref<16x128xf32, #tpu.memory_space<vmem>>, vector<1x16xf32>,
      %swap3A_290 = vector.shape_cast %swap3A_289 : vector<1x16xf32> to vector<16xf32>
      %swap3A_291 = vector.shape_cast %broadcast_in_dim3A_1 : vector<16xf32> to vector<1x16xf32>
      tpu.vector_store %arg6[%swap3A_287, %swap3A_288], %swap3A_291 {strides = array<i32>} : memref<16x128xf32, #tpu.memory_space<vmem>>, vector<1x16xf32>,
      %swap3A_292 = arith.constant 11 : i32
      %swap3A_293 = arith.index_cast %swap3A_292 : i32 to index
      %swap3A_294 = arith.constant 32 : index
      %swap3A_295 = tpu.vector_load %arg6[%swap3A_293, %swap3A_294] {strides = array<i32>} : memref<16x128xf32, #tpu.memory_space<vmem>>, vector<1x16xf32>,
      %swap3A_296 = vector.shape_cast %swap3A_295 : vector<1x16xf32> to vector<16xf32>
      %swap3A_297 = vector.shape_cast %broadcast_in_dim3A_1 : vector<16xf32> to vector<1x16xf32>
      tpu.vector_store %arg6[%swap3A_293, %swap3A_294], %swap3A_297 {strides = array<i32>} : memref<16x128xf32, #tpu.memory_space<vmem>>, vector<1x16xf32>,
      %swap3A_298 = arith.constant 11 : i32
      %swap3A_299 = arith.index_cast %swap3A_298 : i32 to index
      %swap3A_300 = arith.constant 48 : index
      %swap3A_301 = tpu.vector_load %arg6[%swap3A_299, %swap3A_300] {strides = array<i32>} : memref<16x128xf32, #tpu.memory_space<vmem>>, vector<1x16xf32>,
      %swap3A_302 = vector.shape_cast %swap3A_301 : vector<1x16xf32> to vector<16xf32>
      %swap3A_303 = vector.shape_cast %broadcast_in_dim3A_1 : vector<16xf32> to vector<1x16xf32>
      tpu.vector_store %arg6[%swap3A_299, %swap3A_300], %swap3A_303 {strides = array<i32>} : memref<16x128xf32, #tpu.memory_space<vmem>>, vector<1x16xf32>,
      %swap3A_304 = arith.constant 12 : i32
      %swap3A_305 = arith.index_cast %swap3A_304 : i32 to index
      %swap3A_306 = arith.constant 0 : index
      %swap3A_307 = tpu.vector_load %arg6[%swap3A_305, %swap3A_306] {strides = array<i32>} : memref<16x128xf32, #tpu.memory_space<vmem>>, vector<1x16xf32>,
      %swap3A_308 = vector.shape_cast %swap3A_307 : vector<1x16xf32> to vector<16xf32>
      %swap3A_309 = vector.shape_cast %broadcast_in_dim3A_1 : vector<16xf32> to vector<1x16xf32>
      tpu.vector_store %arg6[%swap3A_305, %swap3A_306], %swap3A_309 {strides = array<i32>} : memref<16x128xf32, #tpu.memory_space<vmem>>, vector<1x16xf32>,
      %swap3A_310 = arith.constant 12 : i32
      %swap3A_311 = arith.index_cast %swap3A_310 : i32 to index
      %swap3A_312 = arith.constant 16 : index
      %swap3A_313 = tpu.vector_load %arg6[%swap3A_311, %swap3A_312] {strides = array<i32>} : memref<16x128xf32, #tpu.memory_space<vmem>>, vector<1x16xf32>,
      %swap3A_314 = vector.shape_cast %swap3A_313 : vector<1x16xf32> to vector<16xf32>
      %swap3A_315 = vector.shape_cast %broadcast_in_dim3A_1 : vector<16xf32> to vector<1x16xf32>
      tpu.vector_store %arg6[%swap3A_311, %swap3A_312], %swap3A_315 {strides = array<i32>} : memref<16x128xf32, #tpu.memory_space<vmem>>, vector<1x16xf32>,
      %swap3A_316 = arith.constant 12 : i32
      %swap3A_317 = arith.index_cast %swap3A_316 : i32 to index
      %swap3A_318 = arith.constant 32 : index
      %swap3A_319 = tpu.vector_load %arg6[%swap3A_317, %swap3A_318] {strides = array<i32>} : memref<16x128xf32, #tpu.memory_space<vmem>>, vector<1x16xf32>,
      %swap3A_320 = vector.shape_cast %swap3A_319 : vector<1x16xf32> to vector<16xf32>
      %swap3A_321 = vector.shape_cast %broadcast_in_dim3A_1 : vector<16xf32> to vector<1x16xf32>
      tpu.vector_store %arg6[%swap3A_317, %swap3A_318], %swap3A_321 {strides = array<i32>} : memref<16x128xf32, #tpu.memory_space<vmem>>, vector<1x16xf32>,
      %swap3A_322 = arith.constant 12 : i32
      %swap3A_323 = arith.index_cast %swap3A_322 : i32 to index
      %swap3A_324 = arith.constant 48 : index
      %swap3A_325 = tpu.vector_load %arg6[%swap3A_323, %swap3A_324] {strides = array<i32>} : memref<16x128xf32, #tpu.memory_space<vmem>>, vector<1x16xf32>,
      %swap3A_326 = vector.shape_cast %swap3A_325 : vector<1x16xf32> to vector<16xf32>
      %swap3A_327 = vector.shape_cast %broadcast_in_dim3A_1 : vector<16xf32> to vector<1x16xf32>
      tpu.vector_store %arg6[%swap3A_323, %swap3A_324], %swap3A_327 {strides = array<i32>} : memref<16x128xf32, #tpu.memory_space<vmem>>, vector<1x16xf32>,
      %swap3A_328 = arith.constant 13 : i32
      %swap3A_329 = arith.index_cast %swap3A_328 : i32 to index
      %swap3A_330 = arith.constant 0 : index
      %swap3A_331 = tpu.vector_load %arg6[%swap3A_329, %swap3A_330] {strides = array<i32>} : memref<16x128xf32, #tpu.memory_space<vmem>>, vector<1x16xf32>,
      %swap3A_332 = vector.shape_cast %swap3A_331 : vector<1x16xf32> to vector<16xf32>
      %swap3A_333 = vector.shape_cast %broadcast_in_dim3A_1 : vector<16xf32> to vector<1x16xf32>
      tpu.vector_store %arg6[%swap3A_329, %swap3A_330], %swap3A_333 {strides = array<i32>} : memref<16x128xf32, #tpu.memory_space<vmem>>, vector<1x16xf32>,
      %swap3A_334 = arith.constant 13 : i32
      %swap3A_335 = arith.index_cast %swap3A_334 : i32 to index
      %swap3A_336 = arith.constant 16 : index
      %swap3A_337 = tpu.vector_load %arg6[%swap3A_335, %swap3A_336] {strides = array<i32>} : memref<16x128xf32, #tpu.memory_space<vmem>>, vector<1x16xf32>,
      %swap3A_338 = vector.shape_cast %swap3A_337 : vector<1x16xf32> to vector<16xf32>
      %swap3A_339 = vector.shape_cast %broadcast_in_dim3A_1 : vector<16xf32> to vector<1x16xf32>
      tpu.vector_store %arg6[%swap3A_335, %swap3A_336], %swap3A_339 {strides = array<i32>} : memref<16x128xf32, #tpu.memory_space<vmem>>, vector<1x16xf32>,
      %swap3A_340 = arith.constant 13 : i32
      %swap3A_341 = arith.index_cast %swap3A_340 : i32 to index
      %swap3A_342 = arith.constant 32 : index
      %swap3A_343 = tpu.vector_load %arg6[%swap3A_341, %swap3A_342] {strides = array<i32>} : memref<16x128xf32, #tpu.memory_space<vmem>>, vector<1x16xf32>,
      %swap3A_344 = vector.shape_cast %swap3A_343 : vector<1x16xf32> to vector<16xf32>
      %swap3A_345 = vector.shape_cast %broadcast_in_dim3A_1 : vector<16xf32> to vector<1x16xf32>
      tpu.vector_store %arg6[%swap3A_341, %swap3A_342], %swap3A_345 {strides = array<i32>} : memref<16x128xf32, #tpu.memory_space<vmem>>, vector<1x16xf32>,
      %swap3A_346 = arith.constant 13 : i32
      %swap3A_347 = arith.index_cast %swap3A_346 : i32 to index
      %swap3A_348 = arith.constant 48 : index
      %swap3A_349 = tpu.vector_load %arg6[%swap3A_347, %swap3A_348] {strides = array<i32>} : memref<16x128xf32, #tpu.memory_space<vmem>>, vector<1x16xf32>,
      %swap3A_350 = vector.shape_cast %swap3A_349 : vector<1x16xf32> to vector<16xf32>
      %swap3A_351 = vector.shape_cast %broadcast_in_dim3A_1 : vector<16xf32> to vector<1x16xf32>
      tpu.vector_store %arg6[%swap3A_347, %swap3A_348], %swap3A_351 {strides = array<i32>} : memref<16x128xf32, #tpu.memory_space<vmem>>, vector<1x16xf32>,
      %swap3A_352 = arith.constant 14 : i32
      %swap3A_353 = arith.index_cast %swap3A_352 : i32 to index
      %swap3A_354 = arith.constant 0 : index
      %swap3A_355 = tpu.vector_load %arg6[%swap3A_353, %swap3A_354] {strides = array<i32>} : memref<16x128xf32, #tpu.memory_space<vmem>>, vector<1x16xf32>,
      %swap3A_356 = vector.shape_cast %swap3A_355 : vector<1x16xf32> to vector<16xf32>
      %swap3A_357 = vector.shape_cast %broadcast_in_dim3A_1 : vector<16xf32> to vector<1x16xf32>
      tpu.vector_store %arg6[%swap3A_353, %swap3A_354], %swap3A_357 {strides = array<i32>} : memref<16x128xf32, #tpu.memory_space<vmem>>, vector<1x16xf32>,
      %swap3A_358 = arith.constant 14 : i32
      %swap3A_359 = arith.index_cast %swap3A_358 : i32 to index
      %swap3A_360 = arith.constant 16 : index
      %swap3A_361 = tpu.vector_load %arg6[%swap3A_359, %swap3A_360] {strides = array<i32>} : memref<16x128xf32, #tpu.memory_space<vmem>>, vector<1x16xf32>,
      %swap3A_362 = vector.shape_cast %swap3A_361 : vector<1x16xf32> to vector<16xf32>
      %swap3A_363 = vector.shape_cast %broadcast_in_dim3A_1 : vector<16xf32> to vector<1x16xf32>
      tpu.vector_store %arg6[%swap3A_359, %swap3A_360], %swap3A_363 {strides = array<i32>} : memref<16x128xf32, #tpu.memory_space<vmem>>, vector<1x16xf32>,
      %swap3A_364 = arith.constant 14 : i32
      %swap3A_365 = arith.index_cast %swap3A_364 : i32 to index
      %swap3A_366 = arith.constant 32 : index
      %swap3A_367 = tpu.vector_load %arg6[%swap3A_365, %swap3A_366] {strides = array<i32>} : memref<16x128xf32, #tpu.memory_space<vmem>>, vector<1x16xf32>,
      %swap3A_368 = vector.shape_cast %swap3A_367 : vector<1x16xf32> to vector<16xf32>
      %swap3A_369 = vector.shape_cast %broadcast_in_dim3A_1 : vector<16xf32> to vector<1x16xf32>
      tpu.vector_store %arg6[%swap3A_365, %swap3A_366], %swap3A_369 {strides = array<i32>} : memref<16x128xf32, #tpu.memory_space<vmem>>, vector<1x16xf32>,
      %swap3A_370 = arith.constant 14 : i32
      %swap3A_371 = arith.index_cast %swap3A_370 : i32 to index
      %swap3A_372 = arith.constant 48 : index
      %swap3A_373 = tpu.vector_load %arg6[%swap3A_371, %swap3A_372] {strides = array<i32>} : memref<16x128xf32, #tpu.memory_space<vmem>>, vector<1x16xf32>,
      %swap3A_374 = vector.shape_cast %swap3A_373 : vector<1x16xf32> to vector<16xf32>
      %swap3A_375 = vector.shape_cast %broadcast_in_dim3A_1 : vector<16xf32> to vector<1x16xf32>
      tpu.vector_store %arg6[%swap3A_371, %swap3A_372], %swap3A_375 {strides = array<i32>} : memref<16x128xf32, #tpu.memory_space<vmem>>, vector<1x16xf32>,
      %swap3A_376 = arith.constant 15 : i32
      %swap3A_377 = arith.index_cast %swap3A_376 : i32 to index
      %swap3A_378 = arith.constant 0 : index
      %swap3A_379 = tpu.vector_load %arg6[%swap3A_377, %swap3A_378] {strides = array<i32>} : memref<16x128xf32, #tpu.memory_space<vmem>>, vector<1x16xf32>,
      %swap3A_380 = vector.shape_cast %swap3A_379 : vector<1x16xf32> to vector<16xf32>
      %swap3A_381 = vector.shape_cast %broadcast_in_dim3A_1 : vector<16xf32> to vector<1x16xf32>
      tpu.vector_store %arg6[%swap3A_377, %swap3A_378], %swap3A_381 {strides = array<i32>} : memref<16x128xf32, #tpu.memory_space<vmem>>, vector<1x16xf32>,
      %swap3A_382 = arith.constant 15 : i32
      %swap3A_383 = arith.index_cast %swap3A_382 : i32 to index
      %swap3A_384 = arith.constant 16 : index
      %swap3A_385 = tpu.vector_load %arg6[%swap3A_383, %swap3A_384] {strides = array<i32>} : memref<16x128xf32, #tpu.memory_space<vmem>>, vector<1x16xf32>,
      %swap3A_386 = vector.shape_cast %swap3A_385 : vector<1x16xf32> to vector<16xf32>
      %swap3A_387 = vector.shape_cast %broadcast_in_dim3A_1 : vector<16xf32> to vector<1x16xf32>
      tpu.vector_store %arg6[%swap3A_383, %swap3A_384], %swap3A_387 {strides = array<i32>} : memref<16x128xf32, #tpu.memory_space<vmem>>, vector<1x16xf32>,
      %swap3A_388 = arith.constant 15 : i32
      %swap3A_389 = arith.index_cast %swap3A_388 : i32 to index
      %swap3A_390 = arith.constant 32 : index
      %swap3A_391 = tpu.vector_load %arg6[%swap3A_389, %swap3A_390] {strides = array<i32>} : memref<16x128xf32, #tpu.memory_space<vmem>>, vector<1x16xf32>,
      %swap3A_392 = vector.shape_cast %swap3A_391 : vector<1x16xf32> to vector<16xf32>
      %swap3A_393 = vector.shape_cast %broadcast_in_dim3A_1 : vector<16xf32> to vector<1x16xf32>
      tpu.vector_store %arg6[%swap3A_389, %swap3A_390], %swap3A_393 {strides = array<i32>} : memref<16x128xf32, #tpu.memory_space<vmem>>, vector<1x16xf32>,
      %swap3A_394 = arith.constant 15 : i32
      %swap3A_395 = arith.index_cast %swap3A_394 : i32 to index
      %swap3A_396 = arith.constant 48 : index
      %swap3A_397 = tpu.vector_load %arg6[%swap3A_395, %swap3A_396] {strides = array<i32>} : memref<16x128xf32, #tpu.memory_space<vmem>>, vector<1x16xf32>,
      %swap3A_398 = vector.shape_cast %swap3A_397 : vector<1x16xf32> to vector<16xf32>
      %swap3A_399 = vector.shape_cast %broadcast_in_dim3A_1 : vector<16xf32> to vector<1x16xf32>
      tpu.vector_store %arg6[%swap3A_395, %swap3A_396], %swap3A_399 {strides = array<i32>} : memref<16x128xf32, #tpu.memory_space<vmem>>, vector<1x16xf32>,
      %scan3A_400 = arith.constant 0 : i32
      %scan3A_401 = arith.constant 5 : i32
      %scan3A_402 = arith.addi %scan3A_400, %scan3A_401 : i32
      %scan3A_403 = arith.constant 1 : i32
      %scan3A_404 = scf.for %scan3A_1271 = %scan3A_400 to %scan3A_402 step %scan3A_403 iter_args(%scan3A_1272 = %broadcast_in_dim3A_1) -> (vector<16xf32>)  : i32 {
        %mul3A_1273 = arith.constant 10 : i32
        %mul3A_1274 = arith.muli %scan3A_1271, %mul3A_1273 : i32
        %add3A_1275 = arith.constant 0 : i32
        %add3A_1276 = arith.addi %mul3A_1274, %add3A_1275 : i32
        %get3A_1277 = arith.index_cast %add3A_1276 : i32 to index
        %get3A_1278 = arith.constant 0 : index
        %get3A_1279 = tpu.vector_load %arg5[%get3A_1277, %get3A_1278] {strides = array<i32>} : memref<50x16xi32, #tpu.memory_space<vmem>>, vector<1x16xi32>,
        %get3A_1280 = vector.shape_cast %get3A_1279 : vector<1x16xi32> to vector<16xi32>
        %ne3A = arith.constant 0 : i32
        %ne3A_1281 = vector.broadcast %ne3A : i32 to vector<16xi32>
        %ne3A_1282 = arith.cmpi ne, %get3A_1280, %ne3A_1281 : vector<16xi32>
        %select_n3A = arith.select %ne3A_1282, %broadcast_in_dim3A_3, %broadcast_in_dim3A_1 : vector<16xi1>, vector<16xf32>
        %add3A_1283 = arith.addf %scan3A_1272, %select_n3A : vector<16xf32>
        %dma_start3A = arith.constant 0 : i32
        %dma_start3A_1284 = tpu.memref_slice %arg5[%add3A_1276, %dma_start3A] : memref<50x16xi32, #tpu.memory_space<vmem>> -> memref<1x16xi32, #tpu.memory_space<vmem>>
        %dma_start3A_1285 = tpu.memref_squeeze %dma_start3A_1284 : memref<1x16xi32, #tpu.memory_space<vmem>> -> memref<16xi32, #tpu.memory_space<vmem>>
        %dma_start3A_1286 = arith.constant 0 : i32
        %dma_start3A_1287 = arith.constant 0 : i32
        %dma_start3A_1288 = tpu.memref_slice %arg3[%dma_start3A_1286, %dma_start3A_1287] : memref<1000000x128xf32, #tpu.memory_space<hbm>> -> memref<1000000x128xf32, #tpu.memory_space<hbm>>
        tpu.enqueue_indirect_dma source(%dma_start3A_1288 : memref<1000000x128xf32, #tpu.memory_space<hbm>>) target(%arg6 : memref<16x128xf32, #tpu.memory_space<vmem>>) offsets(%dma_start3A_1285 : memref<16xi32, #tpu.memory_space<vmem>>) semaphore(%arg8 : memref<!tpu.dma_semaphore, #tpu.memory_space<semaphore_mem>>) {add = true}
        %mul3A_1289 = arith.constant 10 : i32
        %mul3A_1290 = arith.muli %scan3A_1271, %mul3A_1289 : i32
        %add3A_1291 = arith.constant 1 : i32
        %add3A_1292 = arith.addi %mul3A_1290, %add3A_1291 : i32
        %get3A_1293 = arith.index_cast %add3A_1292 : i32 to index
        %get3A_1294 = arith.constant 0 : index
        %get3A_1295 = tpu.vector_load %arg5[%get3A_1293, %get3A_1294] {strides = array<i32>} : memref<50x16xi32, #tpu.memory_space<vmem>>, vector<1x16xi32>,
        %get3A_1296 = vector.shape_cast %get3A_1295 : vector<1x16xi32> to vector<16xi32>
        %ne3A_1297 = arith.constant 0 : i32
        %ne3A_1298 = vector.broadcast %ne3A_1297 : i32 to vector<16xi32>
        %ne3A_1299 = arith.cmpi ne, %get3A_1296, %ne3A_1298 : vector<16xi32>
        %select_n3A_1300 = arith.select %ne3A_1299, %broadcast_in_dim3A_3, %broadcast_in_dim3A_1 : vector<16xi1>, vector<16xf32>
        %add3A_1301 = arith.addf %add3A_1283, %select_n3A_1300 : vector<16xf32>
        %dma_start3A_1302 = arith.constant 0 : i32
        %dma_start3A_1303 = tpu.memref_slice %arg5[%add3A_1292, %dma_start3A_1302] : memref<50x16xi32, #tpu.memory_space<vmem>> -> memref<1x16xi32, #tpu.memory_space<vmem>>
        %dma_start3A_1304 = tpu.memref_squeeze %dma_start3A_1303 : memref<1x16xi32, #tpu.memory_space<vmem>> -> memref<16xi32, #tpu.memory_space<vmem>>
        %dma_start3A_1305 = arith.constant 0 : i32
        %dma_start3A_1306 = arith.constant 0 : i32
        %dma_start3A_1307 = tpu.memref_slice %arg3[%dma_start3A_1305, %dma_start3A_1306] : memref<1000000x128xf32, #tpu.memory_space<hbm>> -> memref<1000000x128xf32, #tpu.memory_space<hbm>>
        tpu.enqueue_indirect_dma source(%dma_start3A_1307 : memref<1000000x128xf32, #tpu.memory_space<hbm>>) target(%arg6 : memref<16x128xf32, #tpu.memory_space<vmem>>) offsets(%dma_start3A_1304 : memref<16xi32, #tpu.memory_space<vmem>>) semaphore(%arg8 : memref<!tpu.dma_semaphore, #tpu.memory_space<semaphore_mem>>) {add = true}
        %mul3A_1308 = arith.constant 10 : i32
        %mul3A_1309 = arith.muli %scan3A_1271, %mul3A_1308 : i32
        %add3A_1310 = arith.constant 2 : i32
        %add3A_1311 = arith.addi %mul3A_1309, %add3A_1310 : i32
        %get3A_1312 = arith.index_cast %add3A_1311 : i32 to index
        %get3A_1313 = arith.constant 0 : index
        %get3A_1314 = tpu.vector_load %arg5[%get3A_1312, %get3A_1313] {strides = array<i32>} : memref<50x16xi32, #tpu.memory_space<vmem>>, vector<1x16xi32>,
        %get3A_1315 = vector.shape_cast %get3A_1314 : vector<1x16xi32> to vector<16xi32>
        %ne3A_1316 = arith.constant 0 : i32
        %ne3A_1317 = vector.broadcast %ne3A_1316 : i32 to vector<16xi32>
        %ne3A_1318 = arith.cmpi ne, %get3A_1315, %ne3A_1317 : vector<16xi32>
        %select_n3A_1319 = arith.select %ne3A_1318, %broadcast_in_dim3A_3, %broadcast_in_dim3A_1 : vector<16xi1>, vector<16xf32>
        %add3A_1320 = arith.addf %add3A_1301, %select_n3A_1319 : vector<16xf32>
        %dma_start3A_1321 = arith.constant 0 : i32
        %dma_start3A_1322 = tpu.memref_slice %arg5[%add3A_1311, %dma_start3A_1321] : memref<50x16xi32, #tpu.memory_space<vmem>> -> memref<1x16xi32, #tpu.memory_space<vmem>>
        %dma_start3A_1323 = tpu.memref_squeeze %dma_start3A_1322 : memref<1x16xi32, #tpu.memory_space<vmem>> -> memref<16xi32, #tpu.memory_space<vmem>>
        %dma_start3A_1324 = arith.constant 0 : i32
        %dma_start3A_1325 = arith.constant 0 : i32
        %dma_start3A_1326 = tpu.memref_slice %arg3[%dma_start3A_1324, %dma_start3A_1325] : memref<1000000x128xf32, #tpu.memory_space<hbm>> -> memref<1000000x128xf32, #tpu.memory_space<hbm>>
        tpu.enqueue_indirect_dma source(%dma_start3A_1326 : memref<1000000x128xf32, #tpu.memory_space<hbm>>) target(%arg6 : memref<16x128xf32, #tpu.memory_space<vmem>>) offsets(%dma_start3A_1323 : memref<16xi32, #tpu.memory_space<vmem>>) semaphore(%arg8 : memref<!tpu.dma_semaphore, #tpu.memory_space<semaphore_mem>>) {add = true}
        %mul3A_1327 = arith.constant 10 : i32
        %mul3A_1328 = arith.muli %scan3A_1271, %mul3A_1327 : i32
        %add3A_1329 = arith.constant 3 : i32
        %add3A_1330 = arith.addi %mul3A_1328, %add3A_1329 : i32
        %get3A_1331 = arith.index_cast %add3A_1330 : i32 to index
        %get3A_1332 = arith.constant 0 : index
        %get3A_1333 = tpu.vector_load %arg5[%get3A_1331, %get3A_1332] {strides = array<i32>} : memref<50x16xi32, #tpu.memory_space<vmem>>, vector<1x16xi32>,
        %get3A_1334 = vector.shape_cast %get3A_1333 : vector<1x16xi32> to vector<16xi32>
        %ne3A_1335 = arith.constant 0 : i32
        %ne3A_1336 = vector.broadcast %ne3A_1335 : i32 to vector<16xi32>
        %ne3A_1337 = arith.cmpi ne, %get3A_1334, %ne3A_1336 : vector<16xi32>
        %select_n3A_1338 = arith.select %ne3A_1337, %broadcast_in_dim3A_3, %broadcast_in_dim3A_1 : vector<16xi1>, vector<16xf32>
        %add3A_1339 = arith.addf %add3A_1320, %select_n3A_1338 : vector<16xf32>
        %dma_start3A_1340 = arith.constant 0 : i32
        %dma_start3A_1341 = tpu.memref_slice %arg5[%add3A_1330, %dma_start3A_1340] : memref<50x16xi32, #tpu.memory_space<vmem>> -> memref<1x16xi32, #tpu.memory_space<vmem>>
        %dma_start3A_1342 = tpu.memref_squeeze %dma_start3A_1341 : memref<1x16xi32, #tpu.memory_space<vmem>> -> memref<16xi32, #tpu.memory_space<vmem>>
        %dma_start3A_1343 = arith.constant 0 : i32
        %dma_start3A_1344 = arith.constant 0 : i32
        %dma_start3A_1345 = tpu.memref_slice %arg3[%dma_start3A_1343, %dma_start3A_1344] : memref<1000000x128xf32, #tpu.memory_space<hbm>> -> memref<1000000x128xf32, #tpu.memory_space<hbm>>
        tpu.enqueue_indirect_dma source(%dma_start3A_1345 : memref<1000000x128xf32, #tpu.memory_space<hbm>>) target(%arg6 : memref<16x128xf32, #tpu.memory_space<vmem>>) offsets(%dma_start3A_1342 : memref<16xi32, #tpu.memory_space<vmem>>) semaphore(%arg8 : memref<!tpu.dma_semaphore, #tpu.memory_space<semaphore_mem>>) {add = true}
        %mul3A_1346 = arith.constant 10 : i32
        %mul3A_1347 = arith.muli %scan3A_1271, %mul3A_1346 : i32
        %add3A_1348 = arith.constant 4 : i32
        %add3A_1349 = arith.addi %mul3A_1347, %add3A_1348 : i32
        %get3A_1350 = arith.index_cast %add3A_1349 : i32 to index
        %get3A_1351 = arith.constant 0 : index
        %get3A_1352 = tpu.vector_load %arg5[%get3A_1350, %get3A_1351] {strides = array<i32>} : memref<50x16xi32, #tpu.memory_space<vmem>>, vector<1x16xi32>,
        %get3A_1353 = vector.shape_cast %get3A_1352 : vector<1x16xi32> to vector<16xi32>
        %ne3A_1354 = arith.constant 0 : i32
        %ne3A_1355 = vector.broadcast %ne3A_1354 : i32 to vector<16xi32>
        %ne3A_1356 = arith.cmpi ne, %get3A_1353, %ne3A_1355 : vector<16xi32>
        %select_n3A_1357 = arith.select %ne3A_1356, %broadcast_in_dim3A_3, %broadcast_in_dim3A_1 : vector<16xi1>, vector<16xf32>
        %add3A_1358 = arith.addf %add3A_1339, %select_n3A_1357 : vector<16xf32>
        %dma_start3A_1359 = arith.constant 0 : i32
        %dma_start3A_1360 = tpu.memref_slice %arg5[%add3A_1349, %dma_start3A_1359] : memref<50x16xi32, #tpu.memory_space<vmem>> -> memref<1x16xi32, #tpu.memory_space<vmem>>
        %dma_start3A_1361 = tpu.memref_squeeze %dma_start3A_1360 : memref<1x16xi32, #tpu.memory_space<vmem>> -> memref<16xi32, #tpu.memory_space<vmem>>
        %dma_start3A_1362 = arith.constant 0 : i32
        %dma_start3A_1363 = arith.constant 0 : i32
        %dma_start3A_1364 = tpu.memref_slice %arg3[%dma_start3A_1362, %dma_start3A_1363] : memref<1000000x128xf32, #tpu.memory_space<hbm>> -> memref<1000000x128xf32, #tpu.memory_space<hbm>>
        tpu.enqueue_indirect_dma source(%dma_start3A_1364 : memref<1000000x128xf32, #tpu.memory_space<hbm>>) target(%arg6 : memref<16x128xf32, #tpu.memory_space<vmem>>) offsets(%dma_start3A_1361 : memref<16xi32, #tpu.memory_space<vmem>>) semaphore(%arg8 : memref<!tpu.dma_semaphore, #tpu.memory_space<semaphore_mem>>) {add = true}
        %mul3A_1365 = arith.constant 10 : i32
        %mul3A_1366 = arith.muli %scan3A_1271, %mul3A_1365 : i32
        %add3A_1367 = arith.constant 5 : i32
        %add3A_1368 = arith.addi %mul3A_1366, %add3A_1367 : i32
        %get3A_1369 = arith.index_cast %add3A_1368 : i32 to index
        %get3A_1370 = arith.constant 0 : index
        %get3A_1371 = tpu.vector_load %arg5[%get3A_1369, %get3A_1370] {strides = array<i32>} : memref<50x16xi32, #tpu.memory_space<vmem>>, vector<1x16xi32>,
        %get3A_1372 = vector.shape_cast %get3A_1371 : vector<1x16xi32> to vector<16xi32>
        %ne3A_1373 = arith.constant 0 : i32
        %ne3A_1374 = vector.broadcast %ne3A_1373 : i32 to vector<16xi32>
        %ne3A_1375 = arith.cmpi ne, %get3A_1372, %ne3A_1374 : vector<16xi32>
        %select_n3A_1376 = arith.select %ne3A_1375, %broadcast_in_dim3A_3, %broadcast_in_dim3A_1 : vector<16xi1>, vector<16xf32>
        %add3A_1377 = arith.addf %add3A_1358, %select_n3A_1376 : vector<16xf32>
        %dma_start3A_1378 = arith.constant 0 : i32
        %dma_start3A_1379 = tpu.memref_slice %arg5[%add3A_1368, %dma_start3A_1378] : memref<50x16xi32, #tpu.memory_space<vmem>> -> memref<1x16xi32, #tpu.memory_space<vmem>>
        %dma_start3A_1380 = tpu.memref_squeeze %dma_start3A_1379 : memref<1x16xi32, #tpu.memory_space<vmem>> -> memref<16xi32, #tpu.memory_space<vmem>>
        %dma_start3A_1381 = arith.constant 0 : i32
        %dma_start3A_1382 = arith.constant 0 : i32
        %dma_start3A_1383 = tpu.memref_slice %arg3[%dma_start3A_1381, %dma_start3A_1382] : memref<1000000x128xf32, #tpu.memory_space<hbm>> -> memref<1000000x128xf32, #tpu.memory_space<hbm>>
        tpu.enqueue_indirect_dma source(%dma_start3A_1383 : memref<1000000x128xf32, #tpu.memory_space<hbm>>) target(%arg6 : memref<16x128xf32, #tpu.memory_space<vmem>>) offsets(%dma_start3A_1380 : memref<16xi32, #tpu.memory_space<vmem>>) semaphore(%arg8 : memref<!tpu.dma_semaphore, #tpu.memory_space<semaphore_mem>>) {add = true}
        %mul3A_1384 = arith.constant 10 : i32
        %mul3A_1385 = arith.muli %scan3A_1271, %mul3A_1384 : i32
        %add3A_1386 = arith.constant 6 : i32
        %add3A_1387 = arith.addi %mul3A_1385, %add3A_1386 : i32
        %get3A_1388 = arith.index_cast %add3A_1387 : i32 to index
        %get3A_1389 = arith.constant 0 : index
        %get3A_1390 = tpu.vector_load %arg5[%get3A_1388, %get3A_1389] {strides = array<i32>} : memref<50x16xi32, #tpu.memory_space<vmem>>, vector<1x16xi32>,
        %get3A_1391 = vector.shape_cast %get3A_1390 : vector<1x16xi32> to vector<16xi32>
        %ne3A_1392 = arith.constant 0 : i32
        %ne3A_1393 = vector.broadcast %ne3A_1392 : i32 to vector<16xi32>
        %ne3A_1394 = arith.cmpi ne, %get3A_1391, %ne3A_1393 : vector<16xi32>
        %select_n3A_1395 = arith.select %ne3A_1394, %broadcast_in_dim3A_3, %broadcast_in_dim3A_1 : vector<16xi1>, vector<16xf32>
        %add3A_1396 = arith.addf %add3A_1377, %select_n3A_1395 : vector<16xf32>
        %dma_start3A_1397 = arith.constant 0 : i32
        %dma_start3A_1398 = tpu.memref_slice %arg5[%add3A_1387, %dma_start3A_1397] : memref<50x16xi32, #tpu.memory_space<vmem>> -> memref<1x16xi32, #tpu.memory_space<vmem>>
        %dma_start3A_1399 = tpu.memref_squeeze %dma_start3A_1398 : memref<1x16xi32, #tpu.memory_space<vmem>> -> memref<16xi32, #tpu.memory_space<vmem>>
        %dma_start3A_1400 = arith.constant 0 : i32
        %dma_start3A_1401 = arith.constant 0 : i32
        %dma_start3A_1402 = tpu.memref_slice %arg3[%dma_start3A_1400, %dma_start3A_1401] : memref<1000000x128xf32, #tpu.memory_space<hbm>> -> memref<1000000x128xf32, #tpu.memory_space<hbm>>
        tpu.enqueue_indirect_dma source(%dma_start3A_1402 : memref<1000000x128xf32, #tpu.memory_space<hbm>>) target(%arg6 : memref<16x128xf32, #tpu.memory_space<vmem>>) offsets(%dma_start3A_1399 : memref<16xi32, #tpu.memory_space<vmem>>) semaphore(%arg8 : memref<!tpu.dma_semaphore, #tpu.memory_space<semaphore_mem>>) {add = true}
        %mul3A_1403 = arith.constant 10 : i32
        %mul3A_1404 = arith.muli %scan3A_1271, %mul3A_1403 : i32
        %add3A_1405 = arith.constant 7 : i32
        %add3A_1406 = arith.addi %mul3A_1404, %add3A_1405 : i32
        %get3A_1407 = arith.index_cast %add3A_1406 : i32 to index
        %get3A_1408 = arith.constant 0 : index
        %get3A_1409 = tpu.vector_load %arg5[%get3A_1407, %get3A_1408] {strides = array<i32>} : memref<50x16xi32, #tpu.memory_space<vmem>>, vector<1x16xi32>,
        %get3A_1410 = vector.shape_cast %get3A_1409 : vector<1x16xi32> to vector<16xi32>
        %ne3A_1411 = arith.constant 0 : i32
        %ne3A_1412 = vector.broadcast %ne3A_1411 : i32 to vector<16xi32>
        %ne3A_1413 = arith.cmpi ne, %get3A_1410, %ne3A_1412 : vector<16xi32>
        %select_n3A_1414 = arith.select %ne3A_1413, %broadcast_in_dim3A_3, %broadcast_in_dim3A_1 : vector<16xi1>, vector<16xf32>
        %add3A_1415 = arith.addf %add3A_1396, %select_n3A_1414 : vector<16xf32>
        %dma_start3A_1416 = arith.constant 0 : i32
        %dma_start3A_1417 = tpu.memref_slice %arg5[%add3A_1406, %dma_start3A_1416] : memref<50x16xi32, #tpu.memory_space<vmem>> -> memref<1x16xi32, #tpu.memory_space<vmem>>
        %dma_start3A_1418 = tpu.memref_squeeze %dma_start3A_1417 : memref<1x16xi32, #tpu.memory_space<vmem>> -> memref<16xi32, #tpu.memory_space<vmem>>
        %dma_start3A_1419 = arith.constant 0 : i32
        %dma_start3A_1420 = arith.constant 0 : i32
        %dma_start3A_1421 = tpu.memref_slice %arg3[%dma_start3A_1419, %dma_start3A_1420] : memref<1000000x128xf32, #tpu.memory_space<hbm>> -> memref<1000000x128xf32, #tpu.memory_space<hbm>>
        tpu.enqueue_indirect_dma source(%dma_start3A_1421 : memref<1000000x128xf32, #tpu.memory_space<hbm>>) target(%arg6 : memref<16x128xf32, #tpu.memory_space<vmem>>) offsets(%dma_start3A_1418 : memref<16xi32, #tpu.memory_space<vmem>>) semaphore(%arg8 : memref<!tpu.dma_semaphore, #tpu.memory_space<semaphore_mem>>) {add = true}
        %mul3A_1422 = arith.constant 10 : i32
        %mul3A_1423 = arith.muli %scan3A_1271, %mul3A_1422 : i32
        %add3A_1424 = arith.constant 8 : i32
        %add3A_1425 = arith.addi %mul3A_1423, %add3A_1424 : i32
        %get3A_1426 = arith.index_cast %add3A_1425 : i32 to index
        %get3A_1427 = arith.constant 0 : index
        %get3A_1428 = tpu.vector_load %arg5[%get3A_1426, %get3A_1427] {strides = array<i32>} : memref<50x16xi32, #tpu.memory_space<vmem>>, vector<1x16xi32>,
        %get3A_1429 = vector.shape_cast %get3A_1428 : vector<1x16xi32> to vector<16xi32>
        %ne3A_1430 = arith.constant 0 : i32
        %ne3A_1431 = vector.broadcast %ne3A_1430 : i32 to vector<16xi32>
        %ne3A_1432 = arith.cmpi ne, %get3A_1429, %ne3A_1431 : vector<16xi32>
        %select_n3A_1433 = arith.select %ne3A_1432, %broadcast_in_dim3A_3, %broadcast_in_dim3A_1 : vector<16xi1>, vector<16xf32>
        %add3A_1434 = arith.addf %add3A_1415, %select_n3A_1433 : vector<16xf32>
        %dma_start3A_1435 = arith.constant 0 : i32
        %dma_start3A_1436 = tpu.memref_slice %arg5[%add3A_1425, %dma_start3A_1435] : memref<50x16xi32, #tpu.memory_space<vmem>> -> memref<1x16xi32, #tpu.memory_space<vmem>>
        %dma_start3A_1437 = tpu.memref_squeeze %dma_start3A_1436 : memref<1x16xi32, #tpu.memory_space<vmem>> -> memref<16xi32, #tpu.memory_space<vmem>>
        %dma_start3A_1438 = arith.constant 0 : i32
        %dma_start3A_1439 = arith.constant 0 : i32
        %dma_start3A_1440 = tpu.memref_slice %arg3[%dma_start3A_1438, %dma_start3A_1439] : memref<1000000x128xf32, #tpu.memory_space<hbm>> -> memref<1000000x128xf32, #tpu.memory_space<hbm>>
        tpu.enqueue_indirect_dma source(%dma_start3A_1440 : memref<1000000x128xf32, #tpu.memory_space<hbm>>) target(%arg6 : memref<16x128xf32, #tpu.memory_space<vmem>>) offsets(%dma_start3A_1437 : memref<16xi32, #tpu.memory_space<vmem>>) semaphore(%arg8 : memref<!tpu.dma_semaphore, #tpu.memory_space<semaphore_mem>>) {add = true}
        %mul3A_1441 = arith.constant 10 : i32
        %mul3A_1442 = arith.muli %scan3A_1271, %mul3A_1441 : i32
        %add3A_1443 = arith.constant 9 : i32
        %add3A_1444 = arith.addi %mul3A_1442, %add3A_1443 : i32
        %get3A_1445 = arith.index_cast %add3A_1444 : i32 to index
        %get3A_1446 = arith.constant 0 : index
        %get3A_1447 = tpu.vector_load %arg5[%get3A_1445, %get3A_1446] {strides = array<i32>} : memref<50x16xi32, #tpu.memory_space<vmem>>, vector<1x16xi32>,
        %get3A_1448 = vector.shape_cast %get3A_1447 : vector<1x16xi32> to vector<16xi32>
        %ne3A_1449 = arith.constant 0 : i32
        %ne3A_1450 = vector.broadcast %ne3A_1449 : i32 to vector<16xi32>
        %ne3A_1451 = arith.cmpi ne, %get3A_1448, %ne3A_1450 : vector<16xi32>
        %select_n3A_1452 = arith.select %ne3A_1451, %broadcast_in_dim3A_3, %broadcast_in_dim3A_1 : vector<16xi1>, vector<16xf32>
        %add3A_1453 = arith.addf %add3A_1434, %select_n3A_1452 : vector<16xf32>
        %dma_start3A_1454 = arith.constant 0 : i32
        %dma_start3A_1455 = tpu.memref_slice %arg5[%add3A_1444, %dma_start3A_1454] : memref<50x16xi32, #tpu.memory_space<vmem>> -> memref<1x16xi32, #tpu.memory_space<vmem>>
        %dma_start3A_1456 = tpu.memref_squeeze %dma_start3A_1455 : memref<1x16xi32, #tpu.memory_space<vmem>> -> memref<16xi32, #tpu.memory_space<vmem>>
        %dma_start3A_1457 = arith.constant 0 : i32
        %dma_start3A_1458 = arith.constant 0 : i32
        %dma_start3A_1459 = tpu.memref_slice %arg3[%dma_start3A_1457, %dma_start3A_1458] : memref<1000000x128xf32, #tpu.memory_space<hbm>> -> memref<1000000x128xf32, #tpu.memory_space<hbm>>
        tpu.enqueue_indirect_dma source(%dma_start3A_1459 : memref<1000000x128xf32, #tpu.memory_space<hbm>>) target(%arg6 : memref<16x128xf32, #tpu.memory_space<vmem>>) offsets(%dma_start3A_1456 : memref<16xi32, #tpu.memory_space<vmem>>) semaphore(%arg8 : memref<!tpu.dma_semaphore, #tpu.memory_space<semaphore_mem>>) {add = true}
        %dma_wait3A = arith.constant 0 : i32
        %dma_wait3A_1460 = tpu.memref_slice %arg5[%add3A_1276, %dma_wait3A] : memref<50x16xi32, #tpu.memory_space<vmem>> -> memref<1x16xi32, #tpu.memory_space<vmem>>
        %dma_wait3A_1461 = tpu.memref_squeeze %dma_wait3A_1460 : memref<1x16xi32, #tpu.memory_space<vmem>> -> memref<16xi32, #tpu.memory_space<vmem>>
        %dma_wait3A_1462 = arith.constant 0 : i32
        %dma_wait3A_1463 = arith.constant 0 : i32
        %dma_wait3A_1464 = tpu.memref_slice %arg3[%dma_wait3A_1462, %dma_wait3A_1463] : memref<1000000x128xf32, #tpu.memory_space<hbm>> -> memref<1000000x128xf32, #tpu.memory_space<hbm>>
        tpu.wait_indirect_dma semaphore(%arg8 : memref<!tpu.dma_semaphore, #tpu.memory_space<semaphore_mem>>) src(%dma_wait3A_1464 : memref<1000000x128xf32, #tpu.memory_space<hbm>>) dst(%arg6 : memref<16x128xf32, #tpu.memory_space<vmem>>)
        %dma_wait3A_1465 = arith.constant 0 : i32
        %dma_wait3A_1466 = tpu.memref_slice %arg5[%add3A_1292, %dma_wait3A_1465] : memref<50x16xi32, #tpu.memory_space<vmem>> -> memref<1x16xi32, #tpu.memory_space<vmem>>
        %dma_wait3A_1467 = tpu.memref_squeeze %dma_wait3A_1466 : memref<1x16xi32, #tpu.memory_space<vmem>> -> memref<16xi32, #tpu.memory_space<vmem>>
        %dma_wait3A_1468 = arith.constant 0 : i32
        %dma_wait3A_1469 = arith.constant 0 : i32
        %dma_wait3A_1470 = tpu.memref_slice %arg3[%dma_wait3A_1468, %dma_wait3A_1469] : memref<1000000x128xf32, #tpu.memory_space<hbm>> -> memref<1000000x128xf32, #tpu.memory_space<hbm>>
        tpu.wait_indirect_dma semaphore(%arg8 : memref<!tpu.dma_semaphore, #tpu.memory_space<semaphore_mem>>) src(%dma_wait3A_1470 : memref<1000000x128xf32, #tpu.memory_space<hbm>>) dst(%arg6 : memref<16x128xf32, #tpu.memory_space<vmem>>)
        %dma_wait3A_1471 = arith.constant 0 : i32
        %dma_wait3A_1472 = tpu.memref_slice %arg5[%add3A_1311, %dma_wait3A_1471] : memref<50x16xi32, #tpu.memory_space<vmem>> -> memref<1x16xi32, #tpu.memory_space<vmem>>
        %dma_wait3A_1473 = tpu.memref_squeeze %dma_wait3A_1472 : memref<1x16xi32, #tpu.memory_space<vmem>> -> memref<16xi32, #tpu.memory_space<vmem>>
        %dma_wait3A_1474 = arith.constant 0 : i32
        %dma_wait3A_1475 = arith.constant 0 : i32
        %dma_wait3A_1476 = tpu.memref_slice %arg3[%dma_wait3A_1474, %dma_wait3A_1475] : memref<1000000x128xf32, #tpu.memory_space<hbm>> -> memref<1000000x128xf32, #tpu.memory_space<hbm>>
        tpu.wait_indirect_dma semaphore(%arg8 : memref<!tpu.dma_semaphore, #tpu.memory_space<semaphore_mem>>) src(%dma_wait3A_1476 : memref<1000000x128xf32, #tpu.memory_space<hbm>>) dst(%arg6 : memref<16x128xf32, #tpu.memory_space<vmem>>)
        %dma_wait3A_1477 = arith.constant 0 : i32
        %dma_wait3A_1478 = tpu.memref_slice %arg5[%add3A_1330, %dma_wait3A_1477] : memref<50x16xi32, #tpu.memory_space<vmem>> -> memref<1x16xi32, #tpu.memory_space<vmem>>
        %dma_wait3A_1479 = tpu.memref_squeeze %dma_wait3A_1478 : memref<1x16xi32, #tpu.memory_space<vmem>> -> memref<16xi32, #tpu.memory_space<vmem>>
        %dma_wait3A_1480 = arith.constant 0 : i32
        %dma_wait3A_1481 = arith.constant 0 : i32
        %dma_wait3A_1482 = tpu.memref_slice %arg3[%dma_wait3A_1480, %dma_wait3A_1481] : memref<1000000x128xf32, #tpu.memory_space<hbm>> -> memref<1000000x128xf32, #tpu.memory_space<hbm>>
        tpu.wait_indirect_dma semaphore(%arg8 : memref<!tpu.dma_semaphore, #tpu.memory_space<semaphore_mem>>) src(%dma_wait3A_1482 : memref<1000000x128xf32, #tpu.memory_space<hbm>>) dst(%arg6 : memref<16x128xf32, #tpu.memory_space<vmem>>)
        %dma_wait3A_1483 = arith.constant 0 : i32
        %dma_wait3A_1484 = tpu.memref_slice %arg5[%add3A_1349, %dma_wait3A_1483] : memref<50x16xi32, #tpu.memory_space<vmem>> -> memref<1x16xi32, #tpu.memory_space<vmem>>
        %dma_wait3A_1485 = tpu.memref_squeeze %dma_wait3A_1484 : memref<1x16xi32, #tpu.memory_space<vmem>> -> memref<16xi32, #tpu.memory_space<vmem>>
        %dma_wait3A_1486 = arith.constant 0 : i32
        %dma_wait3A_1487 = arith.constant 0 : i32
        %dma_wait3A_1488 = tpu.memref_slice %arg3[%dma_wait3A_1486, %dma_wait3A_1487] : memref<1000000x128xf32, #tpu.memory_space<hbm>> -> memref<1000000x128xf32, #tpu.memory_space<hbm>>
        tpu.wait_indirect_dma semaphore(%arg8 : memref<!tpu.dma_semaphore, #tpu.memory_space<semaphore_mem>>) src(%dma_wait3A_1488 : memref<1000000x128xf32, #tpu.memory_space<hbm>>) dst(%arg6 : memref<16x128xf32, #tpu.memory_space<vmem>>)
        %dma_wait3A_1489 = arith.constant 0 : i32
        %dma_wait3A_1490 = tpu.memref_slice %arg5[%add3A_1368, %dma_wait3A_1489] : memref<50x16xi32, #tpu.memory_space<vmem>> -> memref<1x16xi32, #tpu.memory_space<vmem>>
        %dma_wait3A_1491 = tpu.memref_squeeze %dma_wait3A_1490 : memref<1x16xi32, #tpu.memory_space<vmem>> -> memref<16xi32, #tpu.memory_space<vmem>>
        %dma_wait3A_1492 = arith.constant 0 : i32
        %dma_wait3A_1493 = arith.constant 0 : i32
        %dma_wait3A_1494 = tpu.memref_slice %arg3[%dma_wait3A_1492, %dma_wait3A_1493] : memref<1000000x128xf32, #tpu.memory_space<hbm>> -> memref<1000000x128xf32, #tpu.memory_space<hbm>>
        tpu.wait_indirect_dma semaphore(%arg8 : memref<!tpu.dma_semaphore, #tpu.memory_space<semaphore_mem>>) src(%dma_wait3A_1494 : memref<1000000x128xf32, #tpu.memory_space<hbm>>) dst(%arg6 : memref<16x128xf32, #tpu.memory_space<vmem>>)
        %dma_wait3A_1495 = arith.constant 0 : i32
        %dma_wait3A_1496 = tpu.memref_slice %arg5[%add3A_1387, %dma_wait3A_1495] : memref<50x16xi32, #tpu.memory_space<vmem>> -> memref<1x16xi32, #tpu.memory_space<vmem>>
        %dma_wait3A_1497 = tpu.memref_squeeze %dma_wait3A_1496 : memref<1x16xi32, #tpu.memory_space<vmem>> -> memref<16xi32, #tpu.memory_space<vmem>>
        %dma_wait3A_1498 = arith.constant 0 : i32
        %dma_wait3A_1499 = arith.constant 0 : i32
        %dma_wait3A_1500 = tpu.memref_slice %arg3[%dma_wait3A_1498, %dma_wait3A_1499] : memref<1000000x128xf32, #tpu.memory_space<hbm>> -> memref<1000000x128xf32, #tpu.memory_space<hbm>>
        tpu.wait_indirect_dma semaphore(%arg8 : memref<!tpu.dma_semaphore, #tpu.memory_space<semaphore_mem>>) src(%dma_wait3A_1500 : memref<1000000x128xf32, #tpu.memory_space<hbm>>) dst(%arg6 : memref<16x128xf32, #tpu.memory_space<vmem>>)
        %dma_wait3A_1501 = arith.constant 0 : i32
        %dma_wait3A_1502 = tpu.memref_slice %arg5[%add3A_1406, %dma_wait3A_1501] : memref<50x16xi32, #tpu.memory_space<vmem>> -> memref<1x16xi32, #tpu.memory_space<vmem>>
        %dma_wait3A_1503 = tpu.memref_squeeze %dma_wait3A_1502 : memref<1x16xi32, #tpu.memory_space<vmem>> -> memref<16xi32, #tpu.memory_space<vmem>>
        %dma_wait3A_1504 = arith.constant 0 : i32
        %dma_wait3A_1505 = arith.constant 0 : i32
        %dma_wait3A_1506 = tpu.memref_slice %arg3[%dma_wait3A_1504, %dma_wait3A_1505] : memref<1000000x128xf32, #tpu.memory_space<hbm>> -> memref<1000000x128xf32, #tpu.memory_space<hbm>>
        tpu.wait_indirect_dma semaphore(%arg8 : memref<!tpu.dma_semaphore, #tpu.memory_space<semaphore_mem>>) src(%dma_wait3A_1506 : memref<1000000x128xf32, #tpu.memory_space<hbm>>) dst(%arg6 : memref<16x128xf32, #tpu.memory_space<vmem>>)
        %dma_wait3A_1507 = arith.constant 0 : i32
        %dma_wait3A_1508 = tpu.memref_slice %arg5[%add3A_1425, %dma_wait3A_1507] : memref<50x16xi32, #tpu.memory_space<vmem>> -> memref<1x16xi32, #tpu.memory_space<vmem>>
        %dma_wait3A_1509 = tpu.memref_squeeze %dma_wait3A_1508 : memref<1x16xi32, #tpu.memory_space<vmem>> -> memref<16xi32, #tpu.memory_space<vmem>>
        %dma_wait3A_1510 = arith.constant 0 : i32
        %dma_wait3A_1511 = arith.constant 0 : i32
        %dma_wait3A_1512 = tpu.memref_slice %arg3[%dma_wait3A_1510, %dma_wait3A_1511] : memref<1000000x128xf32, #tpu.memory_space<hbm>> -> memref<1000000x128xf32, #tpu.memory_space<hbm>>
        tpu.wait_indirect_dma semaphore(%arg8 : memref<!tpu.dma_semaphore, #tpu.memory_space<semaphore_mem>>) src(%dma_wait3A_1512 : memref<1000000x128xf32, #tpu.memory_space<hbm>>) dst(%arg6 : memref<16x128xf32, #tpu.memory_space<vmem>>)
        %dma_wait3A_1513 = arith.constant 0 : i32
        %dma_wait3A_1514 = tpu.memref_slice %arg5[%add3A_1444, %dma_wait3A_1513] : memref<50x16xi32, #tpu.memory_space<vmem>> -> memref<1x16xi32, #tpu.memory_space<vmem>>
        %dma_wait3A_1515 = tpu.memref_squeeze %dma_wait3A_1514 : memref<1x16xi32, #tpu.memory_space<vmem>> -> memref<16xi32, #tpu.memory_space<vmem>>
        %dma_wait3A_1516 = arith.constant 0 : i32
        %dma_wait3A_1517 = arith.constant 0 : i32
        %dma_wait3A_1518 = tpu.memref_slice %arg3[%dma_wait3A_1516, %dma_wait3A_1517] : memref<1000000x128xf32, #tpu.memory_space<hbm>> -> memref<1000000x128xf32, #tpu.memory_space<hbm>>
        tpu.wait_indirect_dma semaphore(%arg8 : memref<!tpu.dma_semaphore, #tpu.memory_space<semaphore_mem>>) src(%dma_wait3A_1518 : memref<1000000x128xf32, #tpu.memory_space<hbm>>) dst(%arg6 : memref<16x128xf32, #tpu.memory_space<vmem>>)
        scf.yield %add3A_1453 : vector<16xf32>
      }
      %scan3A_405 = arith.constant 5 : i32
      %add3A_406 = arith.constant 9.99999993E-9 : f32
      %add3A_407 = vector.broadcast %add3A_406 : f32 to vector<16xf32>
      %add3A_408 = arith.addf %scan3A_404, %add3A_407 : vector<16xf32>
      %div3A = arith.divf %broadcast_in_dim3A_3, %add3A_408 : vector<16xf32>
      %slice3A = vector.extract_strided_slice %div3A {offsets = [0], sizes = [1], strides = [1]} : vector<16xf32> to vector<1xf32>
      %squeeze3A = vector.extract %slice3A[0] : f32 from vector<1xf32>
      %get3A = arith.constant 0 : i32
      %get3A_409 = arith.index_cast %get3A : i32 to index
      %get3A_410 = arith.constant 0 : index
      %get3A_411 = tpu.vector_load %arg6[%get3A_409, %get3A_410] {strides = array<i32>} : memref<16x128xf32, #tpu.memory_space<vmem>>, vector<1x16xf32>,
      %get3A_412 = vector.shape_cast %get3A_411 : vector<1x16xf32> to vector<16xf32>
      %mul3A_413 = vector.broadcast %squeeze3A : f32 to vector<16xf32>
      %mul3A_414 = arith.mulf %get3A_412, %mul3A_413 : vector<16xf32>
      %swap3A_415 = arith.constant 0 : i32
      %swap3A_416 = arith.index_cast %swap3A_415 : i32 to index
      %swap3A_417 = arith.constant 0 : index
      %swap3A_418 = tpu.vector_load %arg7[%swap3A_416, %swap3A_417] {strides = array<i32>} : memref<16x64xf32, #tpu.memory_space<vmem>>, vector<1x16xf32>,
      %swap3A_419 = vector.shape_cast %swap3A_418 : vector<1x16xf32> to vector<16xf32>
      %swap3A_420 = vector.shape_cast %mul3A_414 : vector<16xf32> to vector<1x16xf32>
      tpu.vector_store %arg7[%swap3A_416, %swap3A_417], %swap3A_420 {strides = array<i32>} : memref<16x64xf32, #tpu.memory_space<vmem>>, vector<1x16xf32>,
      %get3A_421 = arith.constant 0 : i32
      %get3A_422 = arith.index_cast %get3A_421 : i32 to index
      %get3A_423 = arith.constant 16 : index
      %get3A_424 = tpu.vector_load %arg6[%get3A_422, %get3A_423] {strides = array<i32>} : memref<16x128xf32, #tpu.memory_space<vmem>>, vector<1x16xf32>,
      %get3A_425 = vector.shape_cast %get3A_424 : vector<1x16xf32> to vector<16xf32>
      %mul3A_426 = vector.broadcast %squeeze3A : f32 to vector<16xf32>
      %mul3A_427 = arith.mulf %get3A_425, %mul3A_426 : vector<16xf32>
      %swap3A_428 = arith.constant 0 : i32
      %swap3A_429 = arith.index_cast %swap3A_428 : i32 to index
      %swap3A_430 = arith.constant 16 : index
      %swap3A_431 = tpu.vector_load %arg7[%swap3A_429, %swap3A_430] {strides = array<i32>} : memref<16x64xf32, #tpu.memory_space<vmem>>, vector<1x16xf32>,
      %swap3A_432 = vector.shape_cast %swap3A_431 : vector<1x16xf32> to vector<16xf32>
      %swap3A_433 = vector.shape_cast %mul3A_427 : vector<16xf32> to vector<1x16xf32>
      tpu.vector_store %arg7[%swap3A_429, %swap3A_430], %swap3A_433 {strides = array<i32>} : memref<16x64xf32, #tpu.memory_space<vmem>>, vector<1x16xf32>,
      %get3A_434 = arith.constant 0 : i32
      %get3A_435 = arith.index_cast %get3A_434 : i32 to index
      %get3A_436 = arith.constant 32 : index
      %get3A_437 = tpu.vector_load %arg6[%get3A_435, %get3A_436] {strides = array<i32>} : memref<16x128xf32, #tpu.memory_space<vmem>>, vector<1x16xf32>,
      %get3A_438 = vector.shape_cast %get3A_437 : vector<1x16xf32> to vector<16xf32>
      %mul3A_439 = vector.broadcast %squeeze3A : f32 to vector<16xf32>
      %mul3A_440 = arith.mulf %get3A_438, %mul3A_439 : vector<16xf32>
      %swap3A_441 = arith.constant 0 : i32
      %swap3A_442 = arith.index_cast %swap3A_441 : i32 to index
      %swap3A_443 = arith.constant 32 : index
      %swap3A_444 = tpu.vector_load %arg7[%swap3A_442, %swap3A_443] {strides = array<i32>} : memref<16x64xf32, #tpu.memory_space<vmem>>, vector<1x16xf32>,
      %swap3A_445 = vector.shape_cast %swap3A_444 : vector<1x16xf32> to vector<16xf32>
      %swap3A_446 = vector.shape_cast %mul3A_440 : vector<16xf32> to vector<1x16xf32>
      tpu.vector_store %arg7[%swap3A_442, %swap3A_443], %swap3A_446 {strides = array<i32>} : memref<16x64xf32, #tpu.memory_space<vmem>>, vector<1x16xf32>,
      %get3A_447 = arith.constant 0 : i32
      %get3A_448 = arith.index_cast %get3A_447 : i32 to index
      %get3A_449 = arith.constant 48 : index
      %get3A_450 = tpu.vector_load %arg6[%get3A_448, %get3A_449] {strides = array<i32>} : memref<16x128xf32, #tpu.memory_space<vmem>>, vector<1x16xf32>,
      %get3A_451 = vector.shape_cast %get3A_450 : vector<1x16xf32> to vector<16xf32>
      %mul3A_452 = vector.broadcast %squeeze3A : f32 to vector<16xf32>
      %mul3A_453 = arith.mulf %get3A_451, %mul3A_452 : vector<16xf32>
      %swap3A_454 = arith.constant 0 : i32
      %swap3A_455 = arith.index_cast %swap3A_454 : i32 to index
      %swap3A_456 = arith.constant 48 : index
      %swap3A_457 = tpu.vector_load %arg7[%swap3A_455, %swap3A_456] {strides = array<i32>} : memref<16x64xf32, #tpu.memory_space<vmem>>, vector<1x16xf32>,
      %swap3A_458 = vector.shape_cast %swap3A_457 : vector<1x16xf32> to vector<16xf32>
      %swap3A_459 = vector.shape_cast %mul3A_453 : vector<16xf32> to vector<1x16xf32>
      tpu.vector_store %arg7[%swap3A_455, %swap3A_456], %swap3A_459 {strides = array<i32>} : memref<16x64xf32, #tpu.memory_space<vmem>>, vector<1x16xf32>,
      %slice3A_460 = vector.extract_strided_slice %div3A {offsets = [1], sizes = [1], strides = [1]} : vector<16xf32> to vector<1xf32>
      %squeeze3A_461 = vector.extract %slice3A_460[0] : f32 from vector<1xf32>
      %get3A_462 = arith.constant 1 : i32
      %get3A_463 = arith.index_cast %get3A_462 : i32 to index
      %get3A_464 = arith.constant 0 : index
      %get3A_465 = tpu.vector_load %arg6[%get3A_463, %get3A_464] {strides = array<i32>} : memref<16x128xf32, #tpu.memory_space<vmem>>, vector<1x16xf32>,
      %get3A_466 = vector.shape_cast %get3A_465 : vector<1x16xf32> to vector<16xf32>
      %mul3A_467 = vector.broadcast %squeeze3A_461 : f32 to vector<16xf32>
      %mul3A_468 = arith.mulf %get3A_466, %mul3A_467 : vector<16xf32>
      %swap3A_469 = arith.constant 1 : i32
      %swap3A_470 = arith.index_cast %swap3A_469 : i32 to index
      %swap3A_471 = arith.constant 0 : index
      %swap3A_472 = tpu.vector_load %arg7[%swap3A_470, %swap3A_471] {strides = array<i32>} : memref<16x64xf32, #tpu.memory_space<vmem>>, vector<1x16xf32>,
      %swap3A_473 = vector.shape_cast %swap3A_472 : vector<1x16xf32> to vector<16xf32>
      %swap3A_474 = vector.shape_cast %mul3A_468 : vector<16xf32> to vector<1x16xf32>
      tpu.vector_store %arg7[%swap3A_470, %swap3A_471], %swap3A_474 {strides = array<i32>} : memref<16x64xf32, #tpu.memory_space<vmem>>, vector<1x16xf32>,
      %get3A_475 = arith.constant 1 : i32
      %get3A_476 = arith.index_cast %get3A_475 : i32 to index
      %get3A_477 = arith.constant 16 : index
      %get3A_478 = tpu.vector_load %arg6[%get3A_476, %get3A_477] {strides = array<i32>} : memref<16x128xf32, #tpu.memory_space<vmem>>, vector<1x16xf32>,
      %get3A_479 = vector.shape_cast %get3A_478 : vector<1x16xf32> to vector<16xf32>
      %mul3A_480 = vector.broadcast %squeeze3A_461 : f32 to vector<16xf32>
      %mul3A_481 = arith.mulf %get3A_479, %mul3A_480 : vector<16xf32>
      %swap3A_482 = arith.constant 1 : i32
      %swap3A_483 = arith.index_cast %swap3A_482 : i32 to index
      %swap3A_484 = arith.constant 16 : index
      %swap3A_485 = tpu.vector_load %arg7[%swap3A_483, %swap3A_484] {strides = array<i32>} : memref<16x64xf32, #tpu.memory_space<vmem>>, vector<1x16xf32>,
      %swap3A_486 = vector.shape_cast %swap3A_485 : vector<1x16xf32> to vector<16xf32>
      %swap3A_487 = vector.shape_cast %mul3A_481 : vector<16xf32> to vector<1x16xf32>
      tpu.vector_store %arg7[%swap3A_483, %swap3A_484], %swap3A_487 {strides = array<i32>} : memref<16x64xf32, #tpu.memory_space<vmem>>, vector<1x16xf32>,
      %get3A_488 = arith.constant 1 : i32
      %get3A_489 = arith.index_cast %get3A_488 : i32 to index
      %get3A_490 = arith.constant 32 : index
      %get3A_491 = tpu.vector_load %arg6[%get3A_489, %get3A_490] {strides = array<i32>} : memref<16x128xf32, #tpu.memory_space<vmem>>, vector<1x16xf32>,
      %get3A_492 = vector.shape_cast %get3A_491 : vector<1x16xf32> to vector<16xf32>
      %mul3A_493 = vector.broadcast %squeeze3A_461 : f32 to vector<16xf32>
      %mul3A_494 = arith.mulf %get3A_492, %mul3A_493 : vector<16xf32>
      %swap3A_495 = arith.constant 1 : i32
      %swap3A_496 = arith.index_cast %swap3A_495 : i32 to index
      %swap3A_497 = arith.constant 32 : index
      %swap3A_498 = tpu.vector_load %arg7[%swap3A_496, %swap3A_497] {strides = array<i32>} : memref<16x64xf32, #tpu.memory_space<vmem>>, vector<1x16xf32>,
      %swap3A_499 = vector.shape_cast %swap3A_498 : vector<1x16xf32> to vector<16xf32>
      %swap3A_500 = vector.shape_cast %mul3A_494 : vector<16xf32> to vector<1x16xf32>
      tpu.vector_store %arg7[%swap3A_496, %swap3A_497], %swap3A_500 {strides = array<i32>} : memref<16x64xf32, #tpu.memory_space<vmem>>, vector<1x16xf32>,
      %get3A_501 = arith.constant 1 : i32
      %get3A_502 = arith.index_cast %get3A_501 : i32 to index
      %get3A_503 = arith.constant 48 : index
      %get3A_504 = tpu.vector_load %arg6[%get3A_502, %get3A_503] {strides = array<i32>} : memref<16x128xf32, #tpu.memory_space<vmem>>, vector<1x16xf32>,
      %get3A_505 = vector.shape_cast %get3A_504 : vector<1x16xf32> to vector<16xf32>
      %mul3A_506 = vector.broadcast %squeeze3A_461 : f32 to vector<16xf32>
      %mul3A_507 = arith.mulf %get3A_505, %mul3A_506 : vector<16xf32>
      %swap3A_508 = arith.constant 1 : i32
      %swap3A_509 = arith.index_cast %swap3A_508 : i32 to index
      %swap3A_510 = arith.constant 48 : index
      %swap3A_511 = tpu.vector_load %arg7[%swap3A_509, %swap3A_510] {strides = array<i32>} : memref<16x64xf32, #tpu.memory_space<vmem>>, vector<1x16xf32>,
      %swap3A_512 = vector.shape_cast %swap3A_511 : vector<1x16xf32> to vector<16xf32>
      %swap3A_513 = vector.shape_cast %mul3A_507 : vector<16xf32> to vector<1x16xf32>
      tpu.vector_store %arg7[%swap3A_509, %swap3A_510], %swap3A_513 {strides = array<i32>} : memref<16x64xf32, #tpu.memory_space<vmem>>, vector<1x16xf32>,
      %slice3A_514 = vector.extract_strided_slice %div3A {offsets = [2], sizes = [1], strides = [1]} : vector<16xf32> to vector<1xf32>
      %squeeze3A_515 = vector.extract %slice3A_514[0] : f32 from vector<1xf32>
      %get3A_516 = arith.constant 2 : i32
      %get3A_517 = arith.index_cast %get3A_516 : i32 to index
      %get3A_518 = arith.constant 0 : index
      %get3A_519 = tpu.vector_load %arg6[%get3A_517, %get3A_518] {strides = array<i32>} : memref<16x128xf32, #tpu.memory_space<vmem>>, vector<1x16xf32>,
      %get3A_520 = vector.shape_cast %get3A_519 : vector<1x16xf32> to vector<16xf32>
      %mul3A_521 = vector.broadcast %squeeze3A_515 : f32 to vector<16xf32>
      %mul3A_522 = arith.mulf %get3A_520, %mul3A_521 : vector<16xf32>
      %swap3A_523 = arith.constant 2 : i32
      %swap3A_524 = arith.index_cast %swap3A_523 : i32 to index
      %swap3A_525 = arith.constant 0 : index
      %swap3A_526 = tpu.vector_load %arg7[%swap3A_524, %swap3A_525] {strides = array<i32>} : memref<16x64xf32, #tpu.memory_space<vmem>>, vector<1x16xf32>,
      %swap3A_527 = vector.shape_cast %swap3A_526 : vector<1x16xf32> to vector<16xf32>
      %swap3A_528 = vector.shape_cast %mul3A_522 : vector<16xf32> to vector<1x16xf32>
      tpu.vector_store %arg7[%swap3A_524, %swap3A_525], %swap3A_528 {strides = array<i32>} : memref<16x64xf32, #tpu.memory_space<vmem>>, vector<1x16xf32>,
      %get3A_529 = arith.constant 2 : i32
      %get3A_530 = arith.index_cast %get3A_529 : i32 to index
      %get3A_531 = arith.constant 16 : index
      %get3A_532 = tpu.vector_load %arg6[%get3A_530, %get3A_531] {strides = array<i32>} : memref<16x128xf32, #tpu.memory_space<vmem>>, vector<1x16xf32>,
      %get3A_533 = vector.shape_cast %get3A_532 : vector<1x16xf32> to vector<16xf32>
      %mul3A_534 = vector.broadcast %squeeze3A_515 : f32 to vector<16xf32>
      %mul3A_535 = arith.mulf %get3A_533, %mul3A_534 : vector<16xf32>
      %swap3A_536 = arith.constant 2 : i32
      %swap3A_537 = arith.index_cast %swap3A_536 : i32 to index
      %swap3A_538 = arith.constant 16 : index
      %swap3A_539 = tpu.vector_load %arg7[%swap3A_537, %swap3A_538] {strides = array<i32>} : memref<16x64xf32, #tpu.memory_space<vmem>>, vector<1x16xf32>,
      %swap3A_540 = vector.shape_cast %swap3A_539 : vector<1x16xf32> to vector<16xf32>
      %swap3A_541 = vector.shape_cast %mul3A_535 : vector<16xf32> to vector<1x16xf32>
      tpu.vector_store %arg7[%swap3A_537, %swap3A_538], %swap3A_541 {strides = array<i32>} : memref<16x64xf32, #tpu.memory_space<vmem>>, vector<1x16xf32>,
      %get3A_542 = arith.constant 2 : i32
      %get3A_543 = arith.index_cast %get3A_542 : i32 to index
      %get3A_544 = arith.constant 32 : index
      %get3A_545 = tpu.vector_load %arg6[%get3A_543, %get3A_544] {strides = array<i32>} : memref<16x128xf32, #tpu.memory_space<vmem>>, vector<1x16xf32>,
      %get3A_546 = vector.shape_cast %get3A_545 : vector<1x16xf32> to vector<16xf32>
      %mul3A_547 = vector.broadcast %squeeze3A_515 : f32 to vector<16xf32>
      %mul3A_548 = arith.mulf %get3A_546, %mul3A_547 : vector<16xf32>
      %swap3A_549 = arith.constant 2 : i32
      %swap3A_550 = arith.index_cast %swap3A_549 : i32 to index
      %swap3A_551 = arith.constant 32 : index
      %swap3A_552 = tpu.vector_load %arg7[%swap3A_550, %swap3A_551] {strides = array<i32>} : memref<16x64xf32, #tpu.memory_space<vmem>>, vector<1x16xf32>,
      %swap3A_553 = vector.shape_cast %swap3A_552 : vector<1x16xf32> to vector<16xf32>
      %swap3A_554 = vector.shape_cast %mul3A_548 : vector<16xf32> to vector<1x16xf32>
      tpu.vector_store %arg7[%swap3A_550, %swap3A_551], %swap3A_554 {strides = array<i32>} : memref<16x64xf32, #tpu.memory_space<vmem>>, vector<1x16xf32>,
      %get3A_555 = arith.constant 2 : i32
      %get3A_556 = arith.index_cast %get3A_555 : i32 to index
      %get3A_557 = arith.constant 48 : index
      %get3A_558 = tpu.vector_load %arg6[%get3A_556, %get3A_557] {strides = array<i32>} : memref<16x128xf32, #tpu.memory_space<vmem>>, vector<1x16xf32>,
      %get3A_559 = vector.shape_cast %get3A_558 : vector<1x16xf32> to vector<16xf32>
      %mul3A_560 = vector.broadcast %squeeze3A_515 : f32 to vector<16xf32>
      %mul3A_561 = arith.mulf %get3A_559, %mul3A_560 : vector<16xf32>
      %swap3A_562 = arith.constant 2 : i32
      %swap3A_563 = arith.index_cast %swap3A_562 : i32 to index
      %swap3A_564 = arith.constant 48 : index
      %swap3A_565 = tpu.vector_load %arg7[%swap3A_563, %swap3A_564] {strides = array<i32>} : memref<16x64xf32, #tpu.memory_space<vmem>>, vector<1x16xf32>,
      %swap3A_566 = vector.shape_cast %swap3A_565 : vector<1x16xf32> to vector<16xf32>
      %swap3A_567 = vector.shape_cast %mul3A_561 : vector<16xf32> to vector<1x16xf32>
      tpu.vector_store %arg7[%swap3A_563, %swap3A_564], %swap3A_567 {strides = array<i32>} : memref<16x64xf32, #tpu.memory_space<vmem>>, vector<1x16xf32>,
      %slice3A_568 = vector.extract_strided_slice %div3A {offsets = [3], sizes = [1], strides = [1]} : vector<16xf32> to vector<1xf32>
      %squeeze3A_569 = vector.extract %slice3A_568[0] : f32 from vector<1xf32>
      %get3A_570 = arith.constant 3 : i32
      %get3A_571 = arith.index_cast %get3A_570 : i32 to index
      %get3A_572 = arith.constant 0 : index
      %get3A_573 = tpu.vector_load %arg6[%get3A_571, %get3A_572] {strides = array<i32>} : memref<16x128xf32, #tpu.memory_space<vmem>>, vector<1x16xf32>,
      %get3A_574 = vector.shape_cast %get3A_573 : vector<1x16xf32> to vector<16xf32>
      %mul3A_575 = vector.broadcast %squeeze3A_569 : f32 to vector<16xf32>
      %mul3A_576 = arith.mulf %get3A_574, %mul3A_575 : vector<16xf32>
      %swap3A_577 = arith.constant 3 : i32
      %swap3A_578 = arith.index_cast %swap3A_577 : i32 to index
      %swap3A_579 = arith.constant 0 : index
      %swap3A_580 = tpu.vector_load %arg7[%swap3A_578, %swap3A_579] {strides = array<i32>} : memref<16x64xf32, #tpu.memory_space<vmem>>, vector<1x16xf32>,
      %swap3A_581 = vector.shape_cast %swap3A_580 : vector<1x16xf32> to vector<16xf32>
      %swap3A_582 = vector.shape_cast %mul3A_576 : vector<16xf32> to vector<1x16xf32>
      tpu.vector_store %arg7[%swap3A_578, %swap3A_579], %swap3A_582 {strides = array<i32>} : memref<16x64xf32, #tpu.memory_space<vmem>>, vector<1x16xf32>,
      %get3A_583 = arith.constant 3 : i32
      %get3A_584 = arith.index_cast %get3A_583 : i32 to index
      %get3A_585 = arith.constant 16 : index
      %get3A_586 = tpu.vector_load %arg6[%get3A_584, %get3A_585] {strides = array<i32>} : memref<16x128xf32, #tpu.memory_space<vmem>>, vector<1x16xf32>,
      %get3A_587 = vector.shape_cast %get3A_586 : vector<1x16xf32> to vector<16xf32>
      %mul3A_588 = vector.broadcast %squeeze3A_569 : f32 to vector<16xf32>
      %mul3A_589 = arith.mulf %get3A_587, %mul3A_588 : vector<16xf32>
      %swap3A_590 = arith.constant 3 : i32
      %swap3A_591 = arith.index_cast %swap3A_590 : i32 to index
      %swap3A_592 = arith.constant 16 : index
      %swap3A_593 = tpu.vector_load %arg7[%swap3A_591, %swap3A_592] {strides = array<i32>} : memref<16x64xf32, #tpu.memory_space<vmem>>, vector<1x16xf32>,
      %swap3A_594 = vector.shape_cast %swap3A_593 : vector<1x16xf32> to vector<16xf32>
      %swap3A_595 = vector.shape_cast %mul3A_589 : vector<16xf32> to vector<1x16xf32>
      tpu.vector_store %arg7[%swap3A_591, %swap3A_592], %swap3A_595 {strides = array<i32>} : memref<16x64xf32, #tpu.memory_space<vmem>>, vector<1x16xf32>,
      %get3A_596 = arith.constant 3 : i32
      %get3A_597 = arith.index_cast %get3A_596 : i32 to index
      %get3A_598 = arith.constant 32 : index
      %get3A_599 = tpu.vector_load %arg6[%get3A_597, %get3A_598] {strides = array<i32>} : memref<16x128xf32, #tpu.memory_space<vmem>>, vector<1x16xf32>,
      %get3A_600 = vector.shape_cast %get3A_599 : vector<1x16xf32> to vector<16xf32>
      %mul3A_601 = vector.broadcast %squeeze3A_569 : f32 to vector<16xf32>
      %mul3A_602 = arith.mulf %get3A_600, %mul3A_601 : vector<16xf32>
      %swap3A_603 = arith.constant 3 : i32
      %swap3A_604 = arith.index_cast %swap3A_603 : i32 to index
      %swap3A_605 = arith.constant 32 : index
      %swap3A_606 = tpu.vector_load %arg7[%swap3A_604, %swap3A_605] {strides = array<i32>} : memref<16x64xf32, #tpu.memory_space<vmem>>, vector<1x16xf32>,
      %swap3A_607 = vector.shape_cast %swap3A_606 : vector<1x16xf32> to vector<16xf32>
      %swap3A_608 = vector.shape_cast %mul3A_602 : vector<16xf32> to vector<1x16xf32>
      tpu.vector_store %arg7[%swap3A_604, %swap3A_605], %swap3A_608 {strides = array<i32>} : memref<16x64xf32, #tpu.memory_space<vmem>>, vector<1x16xf32>,
      %get3A_609 = arith.constant 3 : i32
      %get3A_610 = arith.index_cast %get3A_609 : i32 to index
      %get3A_611 = arith.constant 48 : index
      %get3A_612 = tpu.vector_load %arg6[%get3A_610, %get3A_611] {strides = array<i32>} : memref<16x128xf32, #tpu.memory_space<vmem>>, vector<1x16xf32>,
      %get3A_613 = vector.shape_cast %get3A_612 : vector<1x16xf32> to vector<16xf32>
      %mul3A_614 = vector.broadcast %squeeze3A_569 : f32 to vector<16xf32>
      %mul3A_615 = arith.mulf %get3A_613, %mul3A_614 : vector<16xf32>
      %swap3A_616 = arith.constant 3 : i32
      %swap3A_617 = arith.index_cast %swap3A_616 : i32 to index
      %swap3A_618 = arith.constant 48 : index
      %swap3A_619 = tpu.vector_load %arg7[%swap3A_617, %swap3A_618] {strides = array<i32>} : memref<16x64xf32, #tpu.memory_space<vmem>>, vector<1x16xf32>,
      %swap3A_620 = vector.shape_cast %swap3A_619 : vector<1x16xf32> to vector<16xf32>
      %swap3A_621 = vector.shape_cast %mul3A_615 : vector<16xf32> to vector<1x16xf32>
      tpu.vector_store %arg7[%swap3A_617, %swap3A_618], %swap3A_621 {strides = array<i32>} : memref<16x64xf32, #tpu.memory_space<vmem>>, vector<1x16xf32>,
      %slice3A_622 = vector.extract_strided_slice %div3A {offsets = [4], sizes = [1], strides = [1]} : vector<16xf32> to vector<1xf32>
      %squeeze3A_623 = vector.extract %slice3A_622[0] : f32 from vector<1xf32>
      %get3A_624 = arith.constant 4 : i32
      %get3A_625 = arith.index_cast %get3A_624 : i32 to index
      %get3A_626 = arith.constant 0 : index
      %get3A_627 = tpu.vector_load %arg6[%get3A_625, %get3A_626] {strides = array<i32>} : memref<16x128xf32, #tpu.memory_space<vmem>>, vector<1x16xf32>,
      %get3A_628 = vector.shape_cast %get3A_627 : vector<1x16xf32> to vector<16xf32>
      %mul3A_629 = vector.broadcast %squeeze3A_623 : f32 to vector<16xf32>
      %mul3A_630 = arith.mulf %get3A_628, %mul3A_629 : vector<16xf32>
      %swap3A_631 = arith.constant 4 : i32
      %swap3A_632 = arith.index_cast %swap3A_631 : i32 to index
      %swap3A_633 = arith.constant 0 : index
      %swap3A_634 = tpu.vector_load %arg7[%swap3A_632, %swap3A_633] {strides = array<i32>} : memref<16x64xf32, #tpu.memory_space<vmem>>, vector<1x16xf32>,
      %swap3A_635 = vector.shape_cast %swap3A_634 : vector<1x16xf32> to vector<16xf32>
      %swap3A_636 = vector.shape_cast %mul3A_630 : vector<16xf32> to vector<1x16xf32>
      tpu.vector_store %arg7[%swap3A_632, %swap3A_633], %swap3A_636 {strides = array<i32>} : memref<16x64xf32, #tpu.memory_space<vmem>>, vector<1x16xf32>,
      %get3A_637 = arith.constant 4 : i32
      %get3A_638 = arith.index_cast %get3A_637 : i32 to index
      %get3A_639 = arith.constant 16 : index
      %get3A_640 = tpu.vector_load %arg6[%get3A_638, %get3A_639] {strides = array<i32>} : memref<16x128xf32, #tpu.memory_space<vmem>>, vector<1x16xf32>,
      %get3A_641 = vector.shape_cast %get3A_640 : vector<1x16xf32> to vector<16xf32>
      %mul3A_642 = vector.broadcast %squeeze3A_623 : f32 to vector<16xf32>
      %mul3A_643 = arith.mulf %get3A_641, %mul3A_642 : vector<16xf32>
      %swap3A_644 = arith.constant 4 : i32
      %swap3A_645 = arith.index_cast %swap3A_644 : i32 to index
      %swap3A_646 = arith.constant 16 : index
      %swap3A_647 = tpu.vector_load %arg7[%swap3A_645, %swap3A_646] {strides = array<i32>} : memref<16x64xf32, #tpu.memory_space<vmem>>, vector<1x16xf32>,
      %swap3A_648 = vector.shape_cast %swap3A_647 : vector<1x16xf32> to vector<16xf32>
      %swap3A_649 = vector.shape_cast %mul3A_643 : vector<16xf32> to vector<1x16xf32>
      tpu.vector_store %arg7[%swap3A_645, %swap3A_646], %swap3A_649 {strides = array<i32>} : memref<16x64xf32, #tpu.memory_space<vmem>>, vector<1x16xf32>,
      %get3A_650 = arith.constant 4 : i32
      %get3A_651 = arith.index_cast %get3A_650 : i32 to index
      %get3A_652 = arith.constant 32 : index
      %get3A_653 = tpu.vector_load %arg6[%get3A_651, %get3A_652] {strides = array<i32>} : memref<16x128xf32, #tpu.memory_space<vmem>>, vector<1x16xf32>,
      %get3A_654 = vector.shape_cast %get3A_653 : vector<1x16xf32> to vector<16xf32>
      %mul3A_655 = vector.broadcast %squeeze3A_623 : f32 to vector<16xf32>
      %mul3A_656 = arith.mulf %get3A_654, %mul3A_655 : vector<16xf32>
      %swap3A_657 = arith.constant 4 : i32
      %swap3A_658 = arith.index_cast %swap3A_657 : i32 to index
      %swap3A_659 = arith.constant 32 : index
      %swap3A_660 = tpu.vector_load %arg7[%swap3A_658, %swap3A_659] {strides = array<i32>} : memref<16x64xf32, #tpu.memory_space<vmem>>, vector<1x16xf32>,
      %swap3A_661 = vector.shape_cast %swap3A_660 : vector<1x16xf32> to vector<16xf32>
      %swap3A_662 = vector.shape_cast %mul3A_656 : vector<16xf32> to vector<1x16xf32>
      tpu.vector_store %arg7[%swap3A_658, %swap3A_659], %swap3A_662 {strides = array<i32>} : memref<16x64xf32, #tpu.memory_space<vmem>>, vector<1x16xf32>,
      %get3A_663 = arith.constant 4 : i32
      %get3A_664 = arith.index_cast %get3A_663 : i32 to index
      %get3A_665 = arith.constant 48 : index
      %get3A_666 = tpu.vector_load %arg6[%get3A_664, %get3A_665] {strides = array<i32>} : memref<16x128xf32, #tpu.memory_space<vmem>>, vector<1x16xf32>,
      %get3A_667 = vector.shape_cast %get3A_666 : vector<1x16xf32> to vector<16xf32>
      %mul3A_668 = vector.broadcast %squeeze3A_623 : f32 to vector<16xf32>
      %mul3A_669 = arith.mulf %get3A_667, %mul3A_668 : vector<16xf32>
      %swap3A_670 = arith.constant 4 : i32
      %swap3A_671 = arith.index_cast %swap3A_670 : i32 to index
      %swap3A_672 = arith.constant 48 : index
      %swap3A_673 = tpu.vector_load %arg7[%swap3A_671, %swap3A_672] {strides = array<i32>} : memref<16x64xf32, #tpu.memory_space<vmem>>, vector<1x16xf32>,
      %swap3A_674 = vector.shape_cast %swap3A_673 : vector<1x16xf32> to vector<16xf32>
      %swap3A_675 = vector.shape_cast %mul3A_669 : vector<16xf32> to vector<1x16xf32>
      tpu.vector_store %arg7[%swap3A_671, %swap3A_672], %swap3A_675 {strides = array<i32>} : memref<16x64xf32, #tpu.memory_space<vmem>>, vector<1x16xf32>,
      %slice3A_676 = vector.extract_strided_slice %div3A {offsets = [5], sizes = [1], strides = [1]} : vector<16xf32> to vector<1xf32>
      %squeeze3A_677 = vector.extract %slice3A_676[0] : f32 from vector<1xf32>
      %get3A_678 = arith.constant 5 : i32
      %get3A_679 = arith.index_cast %get3A_678 : i32 to index
      %get3A_680 = arith.constant 0 : index
      %get3A_681 = tpu.vector_load %arg6[%get3A_679, %get3A_680] {strides = array<i32>} : memref<16x128xf32, #tpu.memory_space<vmem>>, vector<1x16xf32>,
      %get3A_682 = vector.shape_cast %get3A_681 : vector<1x16xf32> to vector<16xf32>
      %mul3A_683 = vector.broadcast %squeeze3A_677 : f32 to vector<16xf32>
      %mul3A_684 = arith.mulf %get3A_682, %mul3A_683 : vector<16xf32>
      %swap3A_685 = arith.constant 5 : i32
      %swap3A_686 = arith.index_cast %swap3A_685 : i32 to index
      %swap3A_687 = arith.constant 0 : index
      %swap3A_688 = tpu.vector_load %arg7[%swap3A_686, %swap3A_687] {strides = array<i32>} : memref<16x64xf32, #tpu.memory_space<vmem>>, vector<1x16xf32>,
      %swap3A_689 = vector.shape_cast %swap3A_688 : vector<1x16xf32> to vector<16xf32>
      %swap3A_690 = vector.shape_cast %mul3A_684 : vector<16xf32> to vector<1x16xf32>
      tpu.vector_store %arg7[%swap3A_686, %swap3A_687], %swap3A_690 {strides = array<i32>} : memref<16x64xf32, #tpu.memory_space<vmem>>, vector<1x16xf32>,
      %get3A_691 = arith.constant 5 : i32
      %get3A_692 = arith.index_cast %get3A_691 : i32 to index
      %get3A_693 = arith.constant 16 : index
      %get3A_694 = tpu.vector_load %arg6[%get3A_692, %get3A_693] {strides = array<i32>} : memref<16x128xf32, #tpu.memory_space<vmem>>, vector<1x16xf32>,
      %get3A_695 = vector.shape_cast %get3A_694 : vector<1x16xf32> to vector<16xf32>
      %mul3A_696 = vector.broadcast %squeeze3A_677 : f32 to vector<16xf32>
      %mul3A_697 = arith.mulf %get3A_695, %mul3A_696 : vector<16xf32>
      %swap3A_698 = arith.constant 5 : i32
      %swap3A_699 = arith.index_cast %swap3A_698 : i32 to index
      %swap3A_700 = arith.constant 16 : index
      %swap3A_701 = tpu.vector_load %arg7[%swap3A_699, %swap3A_700] {strides = array<i32>} : memref<16x64xf32, #tpu.memory_space<vmem>>, vector<1x16xf32>,
      %swap3A_702 = vector.shape_cast %swap3A_701 : vector<1x16xf32> to vector<16xf32>
      %swap3A_703 = vector.shape_cast %mul3A_697 : vector<16xf32> to vector<1x16xf32>
      tpu.vector_store %arg7[%swap3A_699, %swap3A_700], %swap3A_703 {strides = array<i32>} : memref<16x64xf32, #tpu.memory_space<vmem>>, vector<1x16xf32>,
      %get3A_704 = arith.constant 5 : i32
      %get3A_705 = arith.index_cast %get3A_704 : i32 to index
      %get3A_706 = arith.constant 32 : index
      %get3A_707 = tpu.vector_load %arg6[%get3A_705, %get3A_706] {strides = array<i32>} : memref<16x128xf32, #tpu.memory_space<vmem>>, vector<1x16xf32>,
      %get3A_708 = vector.shape_cast %get3A_707 : vector<1x16xf32> to vector<16xf32>
      %mul3A_709 = vector.broadcast %squeeze3A_677 : f32 to vector<16xf32>
      %mul3A_710 = arith.mulf %get3A_708, %mul3A_709 : vector<16xf32>
      %swap3A_711 = arith.constant 5 : i32
      %swap3A_712 = arith.index_cast %swap3A_711 : i32 to index
      %swap3A_713 = arith.constant 32 : index
      %swap3A_714 = tpu.vector_load %arg7[%swap3A_712, %swap3A_713] {strides = array<i32>} : memref<16x64xf32, #tpu.memory_space<vmem>>, vector<1x16xf32>,
      %swap3A_715 = vector.shape_cast %swap3A_714 : vector<1x16xf32> to vector<16xf32>
      %swap3A_716 = vector.shape_cast %mul3A_710 : vector<16xf32> to vector<1x16xf32>
      tpu.vector_store %arg7[%swap3A_712, %swap3A_713], %swap3A_716 {strides = array<i32>} : memref<16x64xf32, #tpu.memory_space<vmem>>, vector<1x16xf32>,
      %get3A_717 = arith.constant 5 : i32
      %get3A_718 = arith.index_cast %get3A_717 : i32 to index
      %get3A_719 = arith.constant 48 : index
      %get3A_720 = tpu.vector_load %arg6[%get3A_718, %get3A_719] {strides = array<i32>} : memref<16x128xf32, #tpu.memory_space<vmem>>, vector<1x16xf32>,
      %get3A_721 = vector.shape_cast %get3A_720 : vector<1x16xf32> to vector<16xf32>
      %mul3A_722 = vector.broadcast %squeeze3A_677 : f32 to vector<16xf32>
      %mul3A_723 = arith.mulf %get3A_721, %mul3A_722 : vector<16xf32>
      %swap3A_724 = arith.constant 5 : i32
      %swap3A_725 = arith.index_cast %swap3A_724 : i32 to index
      %swap3A_726 = arith.constant 48 : index
      %swap3A_727 = tpu.vector_load %arg7[%swap3A_725, %swap3A_726] {strides = array<i32>} : memref<16x64xf32, #tpu.memory_space<vmem>>, vector<1x16xf32>,
      %swap3A_728 = vector.shape_cast %swap3A_727 : vector<1x16xf32> to vector<16xf32>
      %swap3A_729 = vector.shape_cast %mul3A_723 : vector<16xf32> to vector<1x16xf32>
      tpu.vector_store %arg7[%swap3A_725, %swap3A_726], %swap3A_729 {strides = array<i32>} : memref<16x64xf32, #tpu.memory_space<vmem>>, vector<1x16xf32>,
      %slice3A_730 = vector.extract_strided_slice %div3A {offsets = [6], sizes = [1], strides = [1]} : vector<16xf32> to vector<1xf32>
      %squeeze3A_731 = vector.extract %slice3A_730[0] : f32 from vector<1xf32>
      %get3A_732 = arith.constant 6 : i32
      %get3A_733 = arith.index_cast %get3A_732 : i32 to index
      %get3A_734 = arith.constant 0 : index
      %get3A_735 = tpu.vector_load %arg6[%get3A_733, %get3A_734] {strides = array<i32>} : memref<16x128xf32, #tpu.memory_space<vmem>>, vector<1x16xf32>,
      %get3A_736 = vector.shape_cast %get3A_735 : vector<1x16xf32> to vector<16xf32>
      %mul3A_737 = vector.broadcast %squeeze3A_731 : f32 to vector<16xf32>
      %mul3A_738 = arith.mulf %get3A_736, %mul3A_737 : vector<16xf32>
      %swap3A_739 = arith.constant 6 : i32
      %swap3A_740 = arith.index_cast %swap3A_739 : i32 to index
      %swap3A_741 = arith.constant 0 : index
      %swap3A_742 = tpu.vector_load %arg7[%swap3A_740, %swap3A_741] {strides = array<i32>} : memref<16x64xf32, #tpu.memory_space<vmem>>, vector<1x16xf32>,
      %swap3A_743 = vector.shape_cast %swap3A_742 : vector<1x16xf32> to vector<16xf32>
      %swap3A_744 = vector.shape_cast %mul3A_738 : vector<16xf32> to vector<1x16xf32>
      tpu.vector_store %arg7[%swap3A_740, %swap3A_741], %swap3A_744 {strides = array<i32>} : memref<16x64xf32, #tpu.memory_space<vmem>>, vector<1x16xf32>,
      %get3A_745 = arith.constant 6 : i32
      %get3A_746 = arith.index_cast %get3A_745 : i32 to index
      %get3A_747 = arith.constant 16 : index
      %get3A_748 = tpu.vector_load %arg6[%get3A_746, %get3A_747] {strides = array<i32>} : memref<16x128xf32, #tpu.memory_space<vmem>>, vector<1x16xf32>,
      %get3A_749 = vector.shape_cast %get3A_748 : vector<1x16xf32> to vector<16xf32>
      %mul3A_750 = vector.broadcast %squeeze3A_731 : f32 to vector<16xf32>
      %mul3A_751 = arith.mulf %get3A_749, %mul3A_750 : vector<16xf32>
      %swap3A_752 = arith.constant 6 : i32
      %swap3A_753 = arith.index_cast %swap3A_752 : i32 to index
      %swap3A_754 = arith.constant 16 : index
      %swap3A_755 = tpu.vector_load %arg7[%swap3A_753, %swap3A_754] {strides = array<i32>} : memref<16x64xf32, #tpu.memory_space<vmem>>, vector<1x16xf32>,
      %swap3A_756 = vector.shape_cast %swap3A_755 : vector<1x16xf32> to vector<16xf32>
      %swap3A_757 = vector.shape_cast %mul3A_751 : vector<16xf32> to vector<1x16xf32>
      tpu.vector_store %arg7[%swap3A_753, %swap3A_754], %swap3A_757 {strides = array<i32>} : memref<16x64xf32, #tpu.memory_space<vmem>>, vector<1x16xf32>,
      %get3A_758 = arith.constant 6 : i32
      %get3A_759 = arith.index_cast %get3A_758 : i32 to index
      %get3A_760 = arith.constant 32 : index
      %get3A_761 = tpu.vector_load %arg6[%get3A_759, %get3A_760] {strides = array<i32>} : memref<16x128xf32, #tpu.memory_space<vmem>>, vector<1x16xf32>,
      %get3A_762 = vector.shape_cast %get3A_761 : vector<1x16xf32> to vector<16xf32>
      %mul3A_763 = vector.broadcast %squeeze3A_731 : f32 to vector<16xf32>
      %mul3A_764 = arith.mulf %get3A_762, %mul3A_763 : vector<16xf32>
      %swap3A_765 = arith.constant 6 : i32
      %swap3A_766 = arith.index_cast %swap3A_765 : i32 to index
      %swap3A_767 = arith.constant 32 : index
      %swap3A_768 = tpu.vector_load %arg7[%swap3A_766, %swap3A_767] {strides = array<i32>} : memref<16x64xf32, #tpu.memory_space<vmem>>, vector<1x16xf32>,
      %swap3A_769 = vector.shape_cast %swap3A_768 : vector<1x16xf32> to vector<16xf32>
      %swap3A_770 = vector.shape_cast %mul3A_764 : vector<16xf32> to vector<1x16xf32>
      tpu.vector_store %arg7[%swap3A_766, %swap3A_767], %swap3A_770 {strides = array<i32>} : memref<16x64xf32, #tpu.memory_space<vmem>>, vector<1x16xf32>,
      %get3A_771 = arith.constant 6 : i32
      %get3A_772 = arith.index_cast %get3A_771 : i32 to index
      %get3A_773 = arith.constant 48 : index
      %get3A_774 = tpu.vector_load %arg6[%get3A_772, %get3A_773] {strides = array<i32>} : memref<16x128xf32, #tpu.memory_space<vmem>>, vector<1x16xf32>,
      %get3A_775 = vector.shape_cast %get3A_774 : vector<1x16xf32> to vector<16xf32>
      %mul3A_776 = vector.broadcast %squeeze3A_731 : f32 to vector<16xf32>
      %mul3A_777 = arith.mulf %get3A_775, %mul3A_776 : vector<16xf32>
      %swap3A_778 = arith.constant 6 : i32
      %swap3A_779 = arith.index_cast %swap3A_778 : i32 to index
      %swap3A_780 = arith.constant 48 : index
      %swap3A_781 = tpu.vector_load %arg7[%swap3A_779, %swap3A_780] {strides = array<i32>} : memref<16x64xf32, #tpu.memory_space<vmem>>, vector<1x16xf32>,
      %swap3A_782 = vector.shape_cast %swap3A_781 : vector<1x16xf32> to vector<16xf32>
      %swap3A_783 = vector.shape_cast %mul3A_777 : vector<16xf32> to vector<1x16xf32>
      tpu.vector_store %arg7[%swap3A_779, %swap3A_780], %swap3A_783 {strides = array<i32>} : memref<16x64xf32, #tpu.memory_space<vmem>>, vector<1x16xf32>,
      %slice3A_784 = vector.extract_strided_slice %div3A {offsets = [7], sizes = [1], strides = [1]} : vector<16xf32> to vector<1xf32>
      %squeeze3A_785 = vector.extract %slice3A_784[0] : f32 from vector<1xf32>
      %get3A_786 = arith.constant 7 : i32
      %get3A_787 = arith.index_cast %get3A_786 : i32 to index
      %get3A_788 = arith.constant 0 : index
      %get3A_789 = tpu.vector_load %arg6[%get3A_787, %get3A_788] {strides = array<i32>} : memref<16x128xf32, #tpu.memory_space<vmem>>, vector<1x16xf32>,
      %get3A_790 = vector.shape_cast %get3A_789 : vector<1x16xf32> to vector<16xf32>
      %mul3A_791 = vector.broadcast %squeeze3A_785 : f32 to vector<16xf32>
      %mul3A_792 = arith.mulf %get3A_790, %mul3A_791 : vector<16xf32>
      %swap3A_793 = arith.constant 7 : i32
      %swap3A_794 = arith.index_cast %swap3A_793 : i32 to index
      %swap3A_795 = arith.constant 0 : index
      %swap3A_796 = tpu.vector_load %arg7[%swap3A_794, %swap3A_795] {strides = array<i32>} : memref<16x64xf32, #tpu.memory_space<vmem>>, vector<1x16xf32>,
      %swap3A_797 = vector.shape_cast %swap3A_796 : vector<1x16xf32> to vector<16xf32>
      %swap3A_798 = vector.shape_cast %mul3A_792 : vector<16xf32> to vector<1x16xf32>
      tpu.vector_store %arg7[%swap3A_794, %swap3A_795], %swap3A_798 {strides = array<i32>} : memref<16x64xf32, #tpu.memory_space<vmem>>, vector<1x16xf32>,
      %get3A_799 = arith.constant 7 : i32
      %get3A_800 = arith.index_cast %get3A_799 : i32 to index
      %get3A_801 = arith.constant 16 : index
      %get3A_802 = tpu.vector_load %arg6[%get3A_800, %get3A_801] {strides = array<i32>} : memref<16x128xf32, #tpu.memory_space<vmem>>, vector<1x16xf32>,
      %get3A_803 = vector.shape_cast %get3A_802 : vector<1x16xf32> to vector<16xf32>
      %mul3A_804 = vector.broadcast %squeeze3A_785 : f32 to vector<16xf32>
      %mul3A_805 = arith.mulf %get3A_803, %mul3A_804 : vector<16xf32>
      %swap3A_806 = arith.constant 7 : i32
      %swap3A_807 = arith.index_cast %swap3A_806 : i32 to index
      %swap3A_808 = arith.constant 16 : index
      %swap3A_809 = tpu.vector_load %arg7[%swap3A_807, %swap3A_808] {strides = array<i32>} : memref<16x64xf32, #tpu.memory_space<vmem>>, vector<1x16xf32>,
      %swap3A_810 = vector.shape_cast %swap3A_809 : vector<1x16xf32> to vector<16xf32>
      %swap3A_811 = vector.shape_cast %mul3A_805 : vector<16xf32> to vector<1x16xf32>
      tpu.vector_store %arg7[%swap3A_807, %swap3A_808], %swap3A_811 {strides = array<i32>} : memref<16x64xf32, #tpu.memory_space<vmem>>, vector<1x16xf32>,
      %get3A_812 = arith.constant 7 : i32
      %get3A_813 = arith.index_cast %get3A_812 : i32 to index
      %get3A_814 = arith.constant 32 : index
      %get3A_815 = tpu.vector_load %arg6[%get3A_813, %get3A_814] {strides = array<i32>} : memref<16x128xf32, #tpu.memory_space<vmem>>, vector<1x16xf32>,
      %get3A_816 = vector.shape_cast %get3A_815 : vector<1x16xf32> to vector<16xf32>
      %mul3A_817 = vector.broadcast %squeeze3A_785 : f32 to vector<16xf32>
      %mul3A_818 = arith.mulf %get3A_816, %mul3A_817 : vector<16xf32>
      %swap3A_819 = arith.constant 7 : i32
      %swap3A_820 = arith.index_cast %swap3A_819 : i32 to index
      %swap3A_821 = arith.constant 32 : index
      %swap3A_822 = tpu.vector_load %arg7[%swap3A_820, %swap3A_821] {strides = array<i32>} : memref<16x64xf32, #tpu.memory_space<vmem>>, vector<1x16xf32>,
      %swap3A_823 = vector.shape_cast %swap3A_822 : vector<1x16xf32> to vector<16xf32>
      %swap3A_824 = vector.shape_cast %mul3A_818 : vector<16xf32> to vector<1x16xf32>
      tpu.vector_store %arg7[%swap3A_820, %swap3A_821], %swap3A_824 {strides = array<i32>} : memref<16x64xf32, #tpu.memory_space<vmem>>, vector<1x16xf32>,
      %get3A_825 = arith.constant 7 : i32
      %get3A_826 = arith.index_cast %get3A_825 : i32 to index
      %get3A_827 = arith.constant 48 : index
      %get3A_828 = tpu.vector_load %arg6[%get3A_826, %get3A_827] {strides = array<i32>} : memref<16x128xf32, #tpu.memory_space<vmem>>, vector<1x16xf32>,
      %get3A_829 = vector.shape_cast %get3A_828 : vector<1x16xf32> to vector<16xf32>
      %mul3A_830 = vector.broadcast %squeeze3A_785 : f32 to vector<16xf32>
      %mul3A_831 = arith.mulf %get3A_829, %mul3A_830 : vector<16xf32>
      %swap3A_832 = arith.constant 7 : i32
      %swap3A_833 = arith.index_cast %swap3A_832 : i32 to index
      %swap3A_834 = arith.constant 48 : index
      %swap3A_835 = tpu.vector_load %arg7[%swap3A_833, %swap3A_834] {strides = array<i32>} : memref<16x64xf32, #tpu.memory_space<vmem>>, vector<1x16xf32>,
      %swap3A_836 = vector.shape_cast %swap3A_835 : vector<1x16xf32> to vector<16xf32>
      %swap3A_837 = vector.shape_cast %mul3A_831 : vector<16xf32> to vector<1x16xf32>
      tpu.vector_store %arg7[%swap3A_833, %swap3A_834], %swap3A_837 {strides = array<i32>} : memref<16x64xf32, #tpu.memory_space<vmem>>, vector<1x16xf32>,
      %slice3A_838 = vector.extract_strided_slice %div3A {offsets = [8], sizes = [1], strides = [1]} : vector<16xf32> to vector<1xf32>
      %squeeze3A_839 = vector.extract %slice3A_838[0] : f32 from vector<1xf32>
      %get3A_840 = arith.constant 8 : i32
      %get3A_841 = arith.index_cast %get3A_840 : i32 to index
      %get3A_842 = arith.constant 0 : index
      %get3A_843 = tpu.vector_load %arg6[%get3A_841, %get3A_842] {strides = array<i32>} : memref<16x128xf32, #tpu.memory_space<vmem>>, vector<1x16xf32>,
      %get3A_844 = vector.shape_cast %get3A_843 : vector<1x16xf32> to vector<16xf32>
      %mul3A_845 = vector.broadcast %squeeze3A_839 : f32 to vector<16xf32>
      %mul3A_846 = arith.mulf %get3A_844, %mul3A_845 : vector<16xf32>
      %swap3A_847 = arith.constant 8 : i32
      %swap3A_848 = arith.index_cast %swap3A_847 : i32 to index
      %swap3A_849 = arith.constant 0 : index
      %swap3A_850 = tpu.vector_load %arg7[%swap3A_848, %swap3A_849] {strides = array<i32>} : memref<16x64xf32, #tpu.memory_space<vmem>>, vector<1x16xf32>,
      %swap3A_851 = vector.shape_cast %swap3A_850 : vector<1x16xf32> to vector<16xf32>
      %swap3A_852 = vector.shape_cast %mul3A_846 : vector<16xf32> to vector<1x16xf32>
      tpu.vector_store %arg7[%swap3A_848, %swap3A_849], %swap3A_852 {strides = array<i32>} : memref<16x64xf32, #tpu.memory_space<vmem>>, vector<1x16xf32>,
      %get3A_853 = arith.constant 8 : i32
      %get3A_854 = arith.index_cast %get3A_853 : i32 to index
      %get3A_855 = arith.constant 16 : index
      %get3A_856 = tpu.vector_load %arg6[%get3A_854, %get3A_855] {strides = array<i32>} : memref<16x128xf32, #tpu.memory_space<vmem>>, vector<1x16xf32>,
      %get3A_857 = vector.shape_cast %get3A_856 : vector<1x16xf32> to vector<16xf32>
      %mul3A_858 = vector.broadcast %squeeze3A_839 : f32 to vector<16xf32>
      %mul3A_859 = arith.mulf %get3A_857, %mul3A_858 : vector<16xf32>
      %swap3A_860 = arith.constant 8 : i32
      %swap3A_861 = arith.index_cast %swap3A_860 : i32 to index
      %swap3A_862 = arith.constant 16 : index
      %swap3A_863 = tpu.vector_load %arg7[%swap3A_861, %swap3A_862] {strides = array<i32>} : memref<16x64xf32, #tpu.memory_space<vmem>>, vector<1x16xf32>,
      %swap3A_864 = vector.shape_cast %swap3A_863 : vector<1x16xf32> to vector<16xf32>
      %swap3A_865 = vector.shape_cast %mul3A_859 : vector<16xf32> to vector<1x16xf32>
      tpu.vector_store %arg7[%swap3A_861, %swap3A_862], %swap3A_865 {strides = array<i32>} : memref<16x64xf32, #tpu.memory_space<vmem>>, vector<1x16xf32>,
      %get3A_866 = arith.constant 8 : i32
      %get3A_867 = arith.index_cast %get3A_866 : i32 to index
      %get3A_868 = arith.constant 32 : index
      %get3A_869 = tpu.vector_load %arg6[%get3A_867, %get3A_868] {strides = array<i32>} : memref<16x128xf32, #tpu.memory_space<vmem>>, vector<1x16xf32>,
      %get3A_870 = vector.shape_cast %get3A_869 : vector<1x16xf32> to vector<16xf32>
      %mul3A_871 = vector.broadcast %squeeze3A_839 : f32 to vector<16xf32>
      %mul3A_872 = arith.mulf %get3A_870, %mul3A_871 : vector<16xf32>
      %swap3A_873 = arith.constant 8 : i32
      %swap3A_874 = arith.index_cast %swap3A_873 : i32 to index
      %swap3A_875 = arith.constant 32 : index
      %swap3A_876 = tpu.vector_load %arg7[%swap3A_874, %swap3A_875] {strides = array<i32>} : memref<16x64xf32, #tpu.memory_space<vmem>>, vector<1x16xf32>,
      %swap3A_877 = vector.shape_cast %swap3A_876 : vector<1x16xf32> to vector<16xf32>
      %swap3A_878 = vector.shape_cast %mul3A_872 : vector<16xf32> to vector<1x16xf32>
      tpu.vector_store %arg7[%swap3A_874, %swap3A_875], %swap3A_878 {strides = array<i32>} : memref<16x64xf32, #tpu.memory_space<vmem>>, vector<1x16xf32>,
      %get3A_879 = arith.constant 8 : i32
      %get3A_880 = arith.index_cast %get3A_879 : i32 to index
      %get3A_881 = arith.constant 48 : index
      %get3A_882 = tpu.vector_load %arg6[%get3A_880, %get3A_881] {strides = array<i32>} : memref<16x128xf32, #tpu.memory_space<vmem>>, vector<1x16xf32>,
      %get3A_883 = vector.shape_cast %get3A_882 : vector<1x16xf32> to vector<16xf32>
      %mul3A_884 = vector.broadcast %squeeze3A_839 : f32 to vector<16xf32>
      %mul3A_885 = arith.mulf %get3A_883, %mul3A_884 : vector<16xf32>
      %swap3A_886 = arith.constant 8 : i32
      %swap3A_887 = arith.index_cast %swap3A_886 : i32 to index
      %swap3A_888 = arith.constant 48 : index
      %swap3A_889 = tpu.vector_load %arg7[%swap3A_887, %swap3A_888] {strides = array<i32>} : memref<16x64xf32, #tpu.memory_space<vmem>>, vector<1x16xf32>,
      %swap3A_890 = vector.shape_cast %swap3A_889 : vector<1x16xf32> to vector<16xf32>
      %swap3A_891 = vector.shape_cast %mul3A_885 : vector<16xf32> to vector<1x16xf32>
      tpu.vector_store %arg7[%swap3A_887, %swap3A_888], %swap3A_891 {strides = array<i32>} : memref<16x64xf32, #tpu.memory_space<vmem>>, vector<1x16xf32>,
      %slice3A_892 = vector.extract_strided_slice %div3A {offsets = [9], sizes = [1], strides = [1]} : vector<16xf32> to vector<1xf32>
      %squeeze3A_893 = vector.extract %slice3A_892[0] : f32 from vector<1xf32>
      %get3A_894 = arith.constant 9 : i32
      %get3A_895 = arith.index_cast %get3A_894 : i32 to index
      %get3A_896 = arith.constant 0 : index
      %get3A_897 = tpu.vector_load %arg6[%get3A_895, %get3A_896] {strides = array<i32>} : memref<16x128xf32, #tpu.memory_space<vmem>>, vector<1x16xf32>,
      %get3A_898 = vector.shape_cast %get3A_897 : vector<1x16xf32> to vector<16xf32>
      %mul3A_899 = vector.broadcast %squeeze3A_893 : f32 to vector<16xf32>
      %mul3A_900 = arith.mulf %get3A_898, %mul3A_899 : vector<16xf32>
      %swap3A_901 = arith.constant 9 : i32
      %swap3A_902 = arith.index_cast %swap3A_901 : i32 to index
      %swap3A_903 = arith.constant 0 : index
      %swap3A_904 = tpu.vector_load %arg7[%swap3A_902, %swap3A_903] {strides = array<i32>} : memref<16x64xf32, #tpu.memory_space<vmem>>, vector<1x16xf32>,
      %swap3A_905 = vector.shape_cast %swap3A_904 : vector<1x16xf32> to vector<16xf32>
      %swap3A_906 = vector.shape_cast %mul3A_900 : vector<16xf32> to vector<1x16xf32>
      tpu.vector_store %arg7[%swap3A_902, %swap3A_903], %swap3A_906 {strides = array<i32>} : memref<16x64xf32, #tpu.memory_space<vmem>>, vector<1x16xf32>,
      %get3A_907 = arith.constant 9 : i32
      %get3A_908 = arith.index_cast %get3A_907 : i32 to index
      %get3A_909 = arith.constant 16 : index
      %get3A_910 = tpu.vector_load %arg6[%get3A_908, %get3A_909] {strides = array<i32>} : memref<16x128xf32, #tpu.memory_space<vmem>>, vector<1x16xf32>,
      %get3A_911 = vector.shape_cast %get3A_910 : vector<1x16xf32> to vector<16xf32>
      %mul3A_912 = vector.broadcast %squeeze3A_893 : f32 to vector<16xf32>
      %mul3A_913 = arith.mulf %get3A_911, %mul3A_912 : vector<16xf32>
      %swap3A_914 = arith.constant 9 : i32
      %swap3A_915 = arith.index_cast %swap3A_914 : i32 to index
      %swap3A_916 = arith.constant 16 : index
      %swap3A_917 = tpu.vector_load %arg7[%swap3A_915, %swap3A_916] {strides = array<i32>} : memref<16x64xf32, #tpu.memory_space<vmem>>, vector<1x16xf32>,
      %swap3A_918 = vector.shape_cast %swap3A_917 : vector<1x16xf32> to vector<16xf32>
      %swap3A_919 = vector.shape_cast %mul3A_913 : vector<16xf32> to vector<1x16xf32>
      tpu.vector_store %arg7[%swap3A_915, %swap3A_916], %swap3A_919 {strides = array<i32>} : memref<16x64xf32, #tpu.memory_space<vmem>>, vector<1x16xf32>,
      %get3A_920 = arith.constant 9 : i32
      %get3A_921 = arith.index_cast %get3A_920 : i32 to index
      %get3A_922 = arith.constant 32 : index
      %get3A_923 = tpu.vector_load %arg6[%get3A_921, %get3A_922] {strides = array<i32>} : memref<16x128xf32, #tpu.memory_space<vmem>>, vector<1x16xf32>,
      %get3A_924 = vector.shape_cast %get3A_923 : vector<1x16xf32> to vector<16xf32>
      %mul3A_925 = vector.broadcast %squeeze3A_893 : f32 to vector<16xf32>
      %mul3A_926 = arith.mulf %get3A_924, %mul3A_925 : vector<16xf32>
      %swap3A_927 = arith.constant 9 : i32
      %swap3A_928 = arith.index_cast %swap3A_927 : i32 to index
      %swap3A_929 = arith.constant 32 : index
      %swap3A_930 = tpu.vector_load %arg7[%swap3A_928, %swap3A_929] {strides = array<i32>} : memref<16x64xf32, #tpu.memory_space<vmem>>, vector<1x16xf32>,
      %swap3A_931 = vector.shape_cast %swap3A_930 : vector<1x16xf32> to vector<16xf32>
      %swap3A_932 = vector.shape_cast %mul3A_926 : vector<16xf32> to vector<1x16xf32>
      tpu.vector_store %arg7[%swap3A_928, %swap3A_929], %swap3A_932 {strides = array<i32>} : memref<16x64xf32, #tpu.memory_space<vmem>>, vector<1x16xf32>,
      %get3A_933 = arith.constant 9 : i32
      %get3A_934 = arith.index_cast %get3A_933 : i32 to index
      %get3A_935 = arith.constant 48 : index
      %get3A_936 = tpu.vector_load %arg6[%get3A_934, %get3A_935] {strides = array<i32>} : memref<16x128xf32, #tpu.memory_space<vmem>>, vector<1x16xf32>,
      %get3A_937 = vector.shape_cast %get3A_936 : vector<1x16xf32> to vector<16xf32>
      %mul3A_938 = vector.broadcast %squeeze3A_893 : f32 to vector<16xf32>
      %mul3A_939 = arith.mulf %get3A_937, %mul3A_938 : vector<16xf32>
      %swap3A_940 = arith.constant 9 : i32
      %swap3A_941 = arith.index_cast %swap3A_940 : i32 to index
      %swap3A_942 = arith.constant 48 : index
      %swap3A_943 = tpu.vector_load %arg7[%swap3A_941, %swap3A_942] {strides = array<i32>} : memref<16x64xf32, #tpu.memory_space<vmem>>, vector<1x16xf32>,
      %swap3A_944 = vector.shape_cast %swap3A_943 : vector<1x16xf32> to vector<16xf32>
      %swap3A_945 = vector.shape_cast %mul3A_939 : vector<16xf32> to vector<1x16xf32>
      tpu.vector_store %arg7[%swap3A_941, %swap3A_942], %swap3A_945 {strides = array<i32>} : memref<16x64xf32, #tpu.memory_space<vmem>>, vector<1x16xf32>,
      %slice3A_946 = vector.extract_strided_slice %div3A {offsets = [10], sizes = [1], strides = [1]} : vector<16xf32> to vector<1xf32>
      %squeeze3A_947 = vector.extract %slice3A_946[0] : f32 from vector<1xf32>
      %get3A_948 = arith.constant 10 : i32
      %get3A_949 = arith.index_cast %get3A_948 : i32 to index
      %get3A_950 = arith.constant 0 : index
      %get3A_951 = tpu.vector_load %arg6[%get3A_949, %get3A_950] {strides = array<i32>} : memref<16x128xf32, #tpu.memory_space<vmem>>, vector<1x16xf32>,
      %get3A_952 = vector.shape_cast %get3A_951 : vector<1x16xf32> to vector<16xf32>
      %mul3A_953 = vector.broadcast %squeeze3A_947 : f32 to vector<16xf32>
      %mul3A_954 = arith.mulf %get3A_952, %mul3A_953 : vector<16xf32>
      %swap3A_955 = arith.constant 10 : i32
      %swap3A_956 = arith.index_cast %swap3A_955 : i32 to index
      %swap3A_957 = arith.constant 0 : index
      %swap3A_958 = tpu.vector_load %arg7[%swap3A_956, %swap3A_957] {strides = array<i32>} : memref<16x64xf32, #tpu.memory_space<vmem>>, vector<1x16xf32>,
      %swap3A_959 = vector.shape_cast %swap3A_958 : vector<1x16xf32> to vector<16xf32>
      %swap3A_960 = vector.shape_cast %mul3A_954 : vector<16xf32> to vector<1x16xf32>
      tpu.vector_store %arg7[%swap3A_956, %swap3A_957], %swap3A_960 {strides = array<i32>} : memref<16x64xf32, #tpu.memory_space<vmem>>, vector<1x16xf32>,
      %get3A_961 = arith.constant 10 : i32
      %get3A_962 = arith.index_cast %get3A_961 : i32 to index
      %get3A_963 = arith.constant 16 : index
      %get3A_964 = tpu.vector_load %arg6[%get3A_962, %get3A_963] {strides = array<i32>} : memref<16x128xf32, #tpu.memory_space<vmem>>, vector<1x16xf32>,
      %get3A_965 = vector.shape_cast %get3A_964 : vector<1x16xf32> to vector<16xf32>
      %mul3A_966 = vector.broadcast %squeeze3A_947 : f32 to vector<16xf32>
      %mul3A_967 = arith.mulf %get3A_965, %mul3A_966 : vector<16xf32>
      %swap3A_968 = arith.constant 10 : i32
      %swap3A_969 = arith.index_cast %swap3A_968 : i32 to index
      %swap3A_970 = arith.constant 16 : index
      %swap3A_971 = tpu.vector_load %arg7[%swap3A_969, %swap3A_970] {strides = array<i32>} : memref<16x64xf32, #tpu.memory_space<vmem>>, vector<1x16xf32>,
      %swap3A_972 = vector.shape_cast %swap3A_971 : vector<1x16xf32> to vector<16xf32>
      %swap3A_973 = vector.shape_cast %mul3A_967 : vector<16xf32> to vector<1x16xf32>
      tpu.vector_store %arg7[%swap3A_969, %swap3A_970], %swap3A_973 {strides = array<i32>} : memref<16x64xf32, #tpu.memory_space<vmem>>, vector<1x16xf32>,
      %get3A_974 = arith.constant 10 : i32
      %get3A_975 = arith.index_cast %get3A_974 : i32 to index
      %get3A_976 = arith.constant 32 : index
      %get3A_977 = tpu.vector_load %arg6[%get3A_975, %get3A_976] {strides = array<i32>} : memref<16x128xf32, #tpu.memory_space<vmem>>, vector<1x16xf32>,
      %get3A_978 = vector.shape_cast %get3A_977 : vector<1x16xf32> to vector<16xf32>
      %mul3A_979 = vector.broadcast %squeeze3A_947 : f32 to vector<16xf32>
      %mul3A_980 = arith.mulf %get3A_978, %mul3A_979 : vector<16xf32>
      %swap3A_981 = arith.constant 10 : i32
      %swap3A_982 = arith.index_cast %swap3A_981 : i32 to index
      %swap3A_983 = arith.constant 32 : index
      %swap3A_984 = tpu.vector_load %arg7[%swap3A_982, %swap3A_983] {strides = array<i32>} : memref<16x64xf32, #tpu.memory_space<vmem>>, vector<1x16xf32>,
      %swap3A_985 = vector.shape_cast %swap3A_984 : vector<1x16xf32> to vector<16xf32>
      %swap3A_986 = vector.shape_cast %mul3A_980 : vector<16xf32> to vector<1x16xf32>
      tpu.vector_store %arg7[%swap3A_982, %swap3A_983], %swap3A_986 {strides = array<i32>} : memref<16x64xf32, #tpu.memory_space<vmem>>, vector<1x16xf32>,
      %get3A_987 = arith.constant 10 : i32
      %get3A_988 = arith.index_cast %get3A_987 : i32 to index
      %get3A_989 = arith.constant 48 : index
      %get3A_990 = tpu.vector_load %arg6[%get3A_988, %get3A_989] {strides = array<i32>} : memref<16x128xf32, #tpu.memory_space<vmem>>, vector<1x16xf32>,
      %get3A_991 = vector.shape_cast %get3A_990 : vector<1x16xf32> to vector<16xf32>
      %mul3A_992 = vector.broadcast %squeeze3A_947 : f32 to vector<16xf32>
      %mul3A_993 = arith.mulf %get3A_991, %mul3A_992 : vector<16xf32>
      %swap3A_994 = arith.constant 10 : i32
      %swap3A_995 = arith.index_cast %swap3A_994 : i32 to index
      %swap3A_996 = arith.constant 48 : index
      %swap3A_997 = tpu.vector_load %arg7[%swap3A_995, %swap3A_996] {strides = array<i32>} : memref<16x64xf32, #tpu.memory_space<vmem>>, vector<1x16xf32>,
      %swap3A_998 = vector.shape_cast %swap3A_997 : vector<1x16xf32> to vector<16xf32>
      %swap3A_999 = vector.shape_cast %mul3A_993 : vector<16xf32> to vector<1x16xf32>
      tpu.vector_store %arg7[%swap3A_995, %swap3A_996], %swap3A_999 {strides = array<i32>} : memref<16x64xf32, #tpu.memory_space<vmem>>, vector<1x16xf32>,
      %slice3A_1000 = vector.extract_strided_slice %div3A {offsets = [11], sizes = [1], strides = [1]} : vector<16xf32> to vector<1xf32>
      %squeeze3A_1001 = vector.extract %slice3A_1000[0] : f32 from vector<1xf32>
      %get3A_1002 = arith.constant 11 : i32
      %get3A_1003 = arith.index_cast %get3A_1002 : i32 to index
      %get3A_1004 = arith.constant 0 : index
      %get3A_1005 = tpu.vector_load %arg6[%get3A_1003, %get3A_1004] {strides = array<i32>} : memref<16x128xf32, #tpu.memory_space<vmem>>, vector<1x16xf32>,
      %get3A_1006 = vector.shape_cast %get3A_1005 : vector<1x16xf32> to vector<16xf32>
      %mul3A_1007 = vector.broadcast %squeeze3A_1001 : f32 to vector<16xf32>
      %mul3A_1008 = arith.mulf %get3A_1006, %mul3A_1007 : vector<16xf32>
      %swap3A_1009 = arith.constant 11 : i32
      %swap3A_1010 = arith.index_cast %swap3A_1009 : i32 to index
      %swap3A_1011 = arith.constant 0 : index
      %swap3A_1012 = tpu.vector_load %arg7[%swap3A_1010, %swap3A_1011] {strides = array<i32>} : memref<16x64xf32, #tpu.memory_space<vmem>>, vector<1x16xf32>,
      %swap3A_1013 = vector.shape_cast %swap3A_1012 : vector<1x16xf32> to vector<16xf32>
      %swap3A_1014 = vector.shape_cast %mul3A_1008 : vector<16xf32> to vector<1x16xf32>
      tpu.vector_store %arg7[%swap3A_1010, %swap3A_1011], %swap3A_1014 {strides = array<i32>} : memref<16x64xf32, #tpu.memory_space<vmem>>, vector<1x16xf32>,
      %get3A_1015 = arith.constant 11 : i32
      %get3A_1016 = arith.index_cast %get3A_1015 : i32 to index
      %get3A_1017 = arith.constant 16 : index
      %get3A_1018 = tpu.vector_load %arg6[%get3A_1016, %get3A_1017] {strides = array<i32>} : memref<16x128xf32, #tpu.memory_space<vmem>>, vector<1x16xf32>,
      %get3A_1019 = vector.shape_cast %get3A_1018 : vector<1x16xf32> to vector<16xf32>
      %mul3A_1020 = vector.broadcast %squeeze3A_1001 : f32 to vector<16xf32>
      %mul3A_1021 = arith.mulf %get3A_1019, %mul3A_1020 : vector<16xf32>
      %swap3A_1022 = arith.constant 11 : i32
      %swap3A_1023 = arith.index_cast %swap3A_1022 : i32 to index
      %swap3A_1024 = arith.constant 16 : index
      %swap3A_1025 = tpu.vector_load %arg7[%swap3A_1023, %swap3A_1024] {strides = array<i32>} : memref<16x64xf32, #tpu.memory_space<vmem>>, vector<1x16xf32>,
      %swap3A_1026 = vector.shape_cast %swap3A_1025 : vector<1x16xf32> to vector<16xf32>
      %swap3A_1027 = vector.shape_cast %mul3A_1021 : vector<16xf32> to vector<1x16xf32>
      tpu.vector_store %arg7[%swap3A_1023, %swap3A_1024], %swap3A_1027 {strides = array<i32>} : memref<16x64xf32, #tpu.memory_space<vmem>>, vector<1x16xf32>,
      %get3A_1028 = arith.constant 11 : i32
      %get3A_1029 = arith.index_cast %get3A_1028 : i32 to index
      %get3A_1030 = arith.constant 32 : index
      %get3A_1031 = tpu.vector_load %arg6[%get3A_1029, %get3A_1030] {strides = array<i32>} : memref<16x128xf32, #tpu.memory_space<vmem>>, vector<1x16xf32>,
      %get3A_1032 = vector.shape_cast %get3A_1031 : vector<1x16xf32> to vector<16xf32>
      %mul3A_1033 = vector.broadcast %squeeze3A_1001 : f32 to vector<16xf32>
      %mul3A_1034 = arith.mulf %get3A_1032, %mul3A_1033 : vector<16xf32>
      %swap3A_1035 = arith.constant 11 : i32
      %swap3A_1036 = arith.index_cast %swap3A_1035 : i32 to index
      %swap3A_1037 = arith.constant 32 : index
      %swap3A_1038 = tpu.vector_load %arg7[%swap3A_1036, %swap3A_1037] {strides = array<i32>} : memref<16x64xf32, #tpu.memory_space<vmem>>, vector<1x16xf32>,
      %swap3A_1039 = vector.shape_cast %swap3A_1038 : vector<1x16xf32> to vector<16xf32>
      %swap3A_1040 = vector.shape_cast %mul3A_1034 : vector<16xf32> to vector<1x16xf32>
      tpu.vector_store %arg7[%swap3A_1036, %swap3A_1037], %swap3A_1040 {strides = array<i32>} : memref<16x64xf32, #tpu.memory_space<vmem>>, vector<1x16xf32>,
      %get3A_1041 = arith.constant 11 : i32
      %get3A_1042 = arith.index_cast %get3A_1041 : i32 to index
      %get3A_1043 = arith.constant 48 : index
      %get3A_1044 = tpu.vector_load %arg6[%get3A_1042, %get3A_1043] {strides = array<i32>} : memref<16x128xf32, #tpu.memory_space<vmem>>, vector<1x16xf32>,
      %get3A_1045 = vector.shape_cast %get3A_1044 : vector<1x16xf32> to vector<16xf32>
      %mul3A_1046 = vector.broadcast %squeeze3A_1001 : f32 to vector<16xf32>
      %mul3A_1047 = arith.mulf %get3A_1045, %mul3A_1046 : vector<16xf32>
      %swap3A_1048 = arith.constant 11 : i32
      %swap3A_1049 = arith.index_cast %swap3A_1048 : i32 to index
      %swap3A_1050 = arith.constant 48 : index
      %swap3A_1051 = tpu.vector_load %arg7[%swap3A_1049, %swap3A_1050] {strides = array<i32>} : memref<16x64xf32, #tpu.memory_space<vmem>>, vector<1x16xf32>,
      %swap3A_1052 = vector.shape_cast %swap3A_1051 : vector<1x16xf32> to vector<16xf32>
      %swap3A_1053 = vector.shape_cast %mul3A_1047 : vector<16xf32> to vector<1x16xf32>
      tpu.vector_store %arg7[%swap3A_1049, %swap3A_1050], %swap3A_1053 {strides = array<i32>} : memref<16x64xf32, #tpu.memory_space<vmem>>, vector<1x16xf32>,
      %slice3A_1054 = vector.extract_strided_slice %div3A {offsets = [12], sizes = [1], strides = [1]} : vector<16xf32> to vector<1xf32>
      %squeeze3A_1055 = vector.extract %slice3A_1054[0] : f32 from vector<1xf32>
      %get3A_1056 = arith.constant 12 : i32
      %get3A_1057 = arith.index_cast %get3A_1056 : i32 to index
      %get3A_1058 = arith.constant 0 : index
      %get3A_1059 = tpu.vector_load %arg6[%get3A_1057, %get3A_1058] {strides = array<i32>} : memref<16x128xf32, #tpu.memory_space<vmem>>, vector<1x16xf32>,
      %get3A_1060 = vector.shape_cast %get3A_1059 : vector<1x16xf32> to vector<16xf32>
      %mul3A_1061 = vector.broadcast %squeeze3A_1055 : f32 to vector<16xf32>
      %mul3A_1062 = arith.mulf %get3A_1060, %mul3A_1061 : vector<16xf32>
      %swap3A_1063 = arith.constant 12 : i32
      %swap3A_1064 = arith.index_cast %swap3A_1063 : i32 to index
      %swap3A_1065 = arith.constant 0 : index
      %swap3A_1066 = tpu.vector_load %arg7[%swap3A_1064, %swap3A_1065] {strides = array<i32>} : memref<16x64xf32, #tpu.memory_space<vmem>>, vector<1x16xf32>,
      %swap3A_1067 = vector.shape_cast %swap3A_1066 : vector<1x16xf32> to vector<16xf32>
      %swap3A_1068 = vector.shape_cast %mul3A_1062 : vector<16xf32> to vector<1x16xf32>
      tpu.vector_store %arg7[%swap3A_1064, %swap3A_1065], %swap3A_1068 {strides = array<i32>} : memref<16x64xf32, #tpu.memory_space<vmem>>, vector<1x16xf32>,
      %get3A_1069 = arith.constant 12 : i32
      %get3A_1070 = arith.index_cast %get3A_1069 : i32 to index
      %get3A_1071 = arith.constant 16 : index
      %get3A_1072 = tpu.vector_load %arg6[%get3A_1070, %get3A_1071] {strides = array<i32>} : memref<16x128xf32, #tpu.memory_space<vmem>>, vector<1x16xf32>,
      %get3A_1073 = vector.shape_cast %get3A_1072 : vector<1x16xf32> to vector<16xf32>
      %mul3A_1074 = vector.broadcast %squeeze3A_1055 : f32 to vector<16xf32>
      %mul3A_1075 = arith.mulf %get3A_1073, %mul3A_1074 : vector<16xf32>
      %swap3A_1076 = arith.constant 12 : i32
      %swap3A_1077 = arith.index_cast %swap3A_1076 : i32 to index
      %swap3A_1078 = arith.constant 16 : index
      %swap3A_1079 = tpu.vector_load %arg7[%swap3A_1077, %swap3A_1078] {strides = array<i32>} : memref<16x64xf32, #tpu.memory_space<vmem>>, vector<1x16xf32>,
      %swap3A_1080 = vector.shape_cast %swap3A_1079 : vector<1x16xf32> to vector<16xf32>
      %swap3A_1081 = vector.shape_cast %mul3A_1075 : vector<16xf32> to vector<1x16xf32>
      tpu.vector_store %arg7[%swap3A_1077, %swap3A_1078], %swap3A_1081 {strides = array<i32>} : memref<16x64xf32, #tpu.memory_space<vmem>>, vector<1x16xf32>,
      %get3A_1082 = arith.constant 12 : i32
      %get3A_1083 = arith.index_cast %get3A_1082 : i32 to index
      %get3A_1084 = arith.constant 32 : index
      %get3A_1085 = tpu.vector_load %arg6[%get3A_1083, %get3A_1084] {strides = array<i32>} : memref<16x128xf32, #tpu.memory_space<vmem>>, vector<1x16xf32>,
      %get3A_1086 = vector.shape_cast %get3A_1085 : vector<1x16xf32> to vector<16xf32>
      %mul3A_1087 = vector.broadcast %squeeze3A_1055 : f32 to vector<16xf32>
      %mul3A_1088 = arith.mulf %get3A_1086, %mul3A_1087 : vector<16xf32>
      %swap3A_1089 = arith.constant 12 : i32
      %swap3A_1090 = arith.index_cast %swap3A_1089 : i32 to index
      %swap3A_1091 = arith.constant 32 : index
      %swap3A_1092 = tpu.vector_load %arg7[%swap3A_1090, %swap3A_1091] {strides = array<i32>} : memref<16x64xf32, #tpu.memory_space<vmem>>, vector<1x16xf32>,
      %swap3A_1093 = vector.shape_cast %swap3A_1092 : vector<1x16xf32> to vector<16xf32>
      %swap3A_1094 = vector.shape_cast %mul3A_1088 : vector<16xf32> to vector<1x16xf32>
      tpu.vector_store %arg7[%swap3A_1090, %swap3A_1091], %swap3A_1094 {strides = array<i32>} : memref<16x64xf32, #tpu.memory_space<vmem>>, vector<1x16xf32>,
      %get3A_1095 = arith.constant 12 : i32
      %get3A_1096 = arith.index_cast %get3A_1095 : i32 to index
      %get3A_1097 = arith.constant 48 : index
      %get3A_1098 = tpu.vector_load %arg6[%get3A_1096, %get3A_1097] {strides = array<i32>} : memref<16x128xf32, #tpu.memory_space<vmem>>, vector<1x16xf32>,
      %get3A_1099 = vector.shape_cast %get3A_1098 : vector<1x16xf32> to vector<16xf32>
      %mul3A_1100 = vector.broadcast %squeeze3A_1055 : f32 to vector<16xf32>
      %mul3A_1101 = arith.mulf %get3A_1099, %mul3A_1100 : vector<16xf32>
      %swap3A_1102 = arith.constant 12 : i32
      %swap3A_1103 = arith.index_cast %swap3A_1102 : i32 to index
      %swap3A_1104 = arith.constant 48 : index
      %swap3A_1105 = tpu.vector_load %arg7[%swap3A_1103, %swap3A_1104] {strides = array<i32>} : memref<16x64xf32, #tpu.memory_space<vmem>>, vector<1x16xf32>,
      %swap3A_1106 = vector.shape_cast %swap3A_1105 : vector<1x16xf32> to vector<16xf32>
      %swap3A_1107 = vector.shape_cast %mul3A_1101 : vector<16xf32> to vector<1x16xf32>
      tpu.vector_store %arg7[%swap3A_1103, %swap3A_1104], %swap3A_1107 {strides = array<i32>} : memref<16x64xf32, #tpu.memory_space<vmem>>, vector<1x16xf32>,
      %slice3A_1108 = vector.extract_strided_slice %div3A {offsets = [13], sizes = [1], strides = [1]} : vector<16xf32> to vector<1xf32>
      %squeeze3A_1109 = vector.extract %slice3A_1108[0] : f32 from vector<1xf32>
      %get3A_1110 = arith.constant 13 : i32
      %get3A_1111 = arith.index_cast %get3A_1110 : i32 to index
      %get3A_1112 = arith.constant 0 : index
      %get3A_1113 = tpu.vector_load %arg6[%get3A_1111, %get3A_1112] {strides = array<i32>} : memref<16x128xf32, #tpu.memory_space<vmem>>, vector<1x16xf32>,
      %get3A_1114 = vector.shape_cast %get3A_1113 : vector<1x16xf32> to vector<16xf32>
      %mul3A_1115 = vector.broadcast %squeeze3A_1109 : f32 to vector<16xf32>
      %mul3A_1116 = arith.mulf %get3A_1114, %mul3A_1115 : vector<16xf32>
      %swap3A_1117 = arith.constant 13 : i32
      %swap3A_1118 = arith.index_cast %swap3A_1117 : i32 to index
      %swap3A_1119 = arith.constant 0 : index
      %swap3A_1120 = tpu.vector_load %arg7[%swap3A_1118, %swap3A_1119] {strides = array<i32>} : memref<16x64xf32, #tpu.memory_space<vmem>>, vector<1x16xf32>,
      %swap3A_1121 = vector.shape_cast %swap3A_1120 : vector<1x16xf32> to vector<16xf32>
      %swap3A_1122 = vector.shape_cast %mul3A_1116 : vector<16xf32> to vector<1x16xf32>
      tpu.vector_store %arg7[%swap3A_1118, %swap3A_1119], %swap3A_1122 {strides = array<i32>} : memref<16x64xf32, #tpu.memory_space<vmem>>, vector<1x16xf32>,
      %get3A_1123 = arith.constant 13 : i32
      %get3A_1124 = arith.index_cast %get3A_1123 : i32 to index
      %get3A_1125 = arith.constant 16 : index
      %get3A_1126 = tpu.vector_load %arg6[%get3A_1124, %get3A_1125] {strides = array<i32>} : memref<16x128xf32, #tpu.memory_space<vmem>>, vector<1x16xf32>,
      %get3A_1127 = vector.shape_cast %get3A_1126 : vector<1x16xf32> to vector<16xf32>
      %mul3A_1128 = vector.broadcast %squeeze3A_1109 : f32 to vector<16xf32>
      %mul3A_1129 = arith.mulf %get3A_1127, %mul3A_1128 : vector<16xf32>
      %swap3A_1130 = arith.constant 13 : i32
      %swap3A_1131 = arith.index_cast %swap3A_1130 : i32 to index
      %swap3A_1132 = arith.constant 16 : index
      %swap3A_1133 = tpu.vector_load %arg7[%swap3A_1131, %swap3A_1132] {strides = array<i32>} : memref<16x64xf32, #tpu.memory_space<vmem>>, vector<1x16xf32>,
      %swap3A_1134 = vector.shape_cast %swap3A_1133 : vector<1x16xf32> to vector<16xf32>
      %swap3A_1135 = vector.shape_cast %mul3A_1129 : vector<16xf32> to vector<1x16xf32>
      tpu.vector_store %arg7[%swap3A_1131, %swap3A_1132], %swap3A_1135 {strides = array<i32>} : memref<16x64xf32, #tpu.memory_space<vmem>>, vector<1x16xf32>,
      %get3A_1136 = arith.constant 13 : i32
      %get3A_1137 = arith.index_cast %get3A_1136 : i32 to index
      %get3A_1138 = arith.constant 32 : index
      %get3A_1139 = tpu.vector_load %arg6[%get3A_1137, %get3A_1138] {strides = array<i32>} : memref<16x128xf32, #tpu.memory_space<vmem>>, vector<1x16xf32>,
      %get3A_1140 = vector.shape_cast %get3A_1139 : vector<1x16xf32> to vector<16xf32>
      %mul3A_1141 = vector.broadcast %squeeze3A_1109 : f32 to vector<16xf32>
      %mul3A_1142 = arith.mulf %get3A_1140, %mul3A_1141 : vector<16xf32>
      %swap3A_1143 = arith.constant 13 : i32
      %swap3A_1144 = arith.index_cast %swap3A_1143 : i32 to index
      %swap3A_1145 = arith.constant 32 : index
      %swap3A_1146 = tpu.vector_load %arg7[%swap3A_1144, %swap3A_1145] {strides = array<i32>} : memref<16x64xf32, #tpu.memory_space<vmem>>, vector<1x16xf32>,
      %swap3A_1147 = vector.shape_cast %swap3A_1146 : vector<1x16xf32> to vector<16xf32>
      %swap3A_1148 = vector.shape_cast %mul3A_1142 : vector<16xf32> to vector<1x16xf32>
      tpu.vector_store %arg7[%swap3A_1144, %swap3A_1145], %swap3A_1148 {strides = array<i32>} : memref<16x64xf32, #tpu.memory_space<vmem>>, vector<1x16xf32>,
      %get3A_1149 = arith.constant 13 : i32
      %get3A_1150 = arith.index_cast %get3A_1149 : i32 to index
      %get3A_1151 = arith.constant 48 : index
      %get3A_1152 = tpu.vector_load %arg6[%get3A_1150, %get3A_1151] {strides = array<i32>} : memref<16x128xf32, #tpu.memory_space<vmem>>, vector<1x16xf32>,
      %get3A_1153 = vector.shape_cast %get3A_1152 : vector<1x16xf32> to vector<16xf32>
      %mul3A_1154 = vector.broadcast %squeeze3A_1109 : f32 to vector<16xf32>
      %mul3A_1155 = arith.mulf %get3A_1153, %mul3A_1154 : vector<16xf32>
      %swap3A_1156 = arith.constant 13 : i32
      %swap3A_1157 = arith.index_cast %swap3A_1156 : i32 to index
      %swap3A_1158 = arith.constant 48 : index
      %swap3A_1159 = tpu.vector_load %arg7[%swap3A_1157, %swap3A_1158] {strides = array<i32>} : memref<16x64xf32, #tpu.memory_space<vmem>>, vector<1x16xf32>,
      %swap3A_1160 = vector.shape_cast %swap3A_1159 : vector<1x16xf32> to vector<16xf32>
      %swap3A_1161 = vector.shape_cast %mul3A_1155 : vector<16xf32> to vector<1x16xf32>
      tpu.vector_store %arg7[%swap3A_1157, %swap3A_1158], %swap3A_1161 {strides = array<i32>} : memref<16x64xf32, #tpu.memory_space<vmem>>, vector<1x16xf32>,
      %slice3A_1162 = vector.extract_strided_slice %div3A {offsets = [14], sizes = [1], strides = [1]} : vector<16xf32> to vector<1xf32>
      %squeeze3A_1163 = vector.extract %slice3A_1162[0] : f32 from vector<1xf32>
      %get3A_1164 = arith.constant 14 : i32
      %get3A_1165 = arith.index_cast %get3A_1164 : i32 to index
      %get3A_1166 = arith.constant 0 : index
      %get3A_1167 = tpu.vector_load %arg6[%get3A_1165, %get3A_1166] {strides = array<i32>} : memref<16x128xf32, #tpu.memory_space<vmem>>, vector<1x16xf32>,
      %get3A_1168 = vector.shape_cast %get3A_1167 : vector<1x16xf32> to vector<16xf32>
      %mul3A_1169 = vector.broadcast %squeeze3A_1163 : f32 to vector<16xf32>
      %mul3A_1170 = arith.mulf %get3A_1168, %mul3A_1169 : vector<16xf32>
      %swap3A_1171 = arith.constant 14 : i32
      %swap3A_1172 = arith.index_cast %swap3A_1171 : i32 to index
      %swap3A_1173 = arith.constant 0 : index
      %swap3A_1174 = tpu.vector_load %arg7[%swap3A_1172, %swap3A_1173] {strides = array<i32>} : memref<16x64xf32, #tpu.memory_space<vmem>>, vector<1x16xf32>,
      %swap3A_1175 = vector.shape_cast %swap3A_1174 : vector<1x16xf32> to vector<16xf32>
      %swap3A_1176 = vector.shape_cast %mul3A_1170 : vector<16xf32> to vector<1x16xf32>
      tpu.vector_store %arg7[%swap3A_1172, %swap3A_1173], %swap3A_1176 {strides = array<i32>} : memref<16x64xf32, #tpu.memory_space<vmem>>, vector<1x16xf32>,
      %get3A_1177 = arith.constant 14 : i32
      %get3A_1178 = arith.index_cast %get3A_1177 : i32 to index
      %get3A_1179 = arith.constant 16 : index
      %get3A_1180 = tpu.vector_load %arg6[%get3A_1178, %get3A_1179] {strides = array<i32>} : memref<16x128xf32, #tpu.memory_space<vmem>>, vector<1x16xf32>,
      %get3A_1181 = vector.shape_cast %get3A_1180 : vector<1x16xf32> to vector<16xf32>
      %mul3A_1182 = vector.broadcast %squeeze3A_1163 : f32 to vector<16xf32>
      %mul3A_1183 = arith.mulf %get3A_1181, %mul3A_1182 : vector<16xf32>
      %swap3A_1184 = arith.constant 14 : i32
      %swap3A_1185 = arith.index_cast %swap3A_1184 : i32 to index
      %swap3A_1186 = arith.constant 16 : index
      %swap3A_1187 = tpu.vector_load %arg7[%swap3A_1185, %swap3A_1186] {strides = array<i32>} : memref<16x64xf32, #tpu.memory_space<vmem>>, vector<1x16xf32>,
      %swap3A_1188 = vector.shape_cast %swap3A_1187 : vector<1x16xf32> to vector<16xf32>
      %swap3A_1189 = vector.shape_cast %mul3A_1183 : vector<16xf32> to vector<1x16xf32>
      tpu.vector_store %arg7[%swap3A_1185, %swap3A_1186], %swap3A_1189 {strides = array<i32>} : memref<16x64xf32, #tpu.memory_space<vmem>>, vector<1x16xf32>,
      %get3A_1190 = arith.constant 14 : i32
      %get3A_1191 = arith.index_cast %get3A_1190 : i32 to index
      %get3A_1192 = arith.constant 32 : index
      %get3A_1193 = tpu.vector_load %arg6[%get3A_1191, %get3A_1192] {strides = array<i32>} : memref<16x128xf32, #tpu.memory_space<vmem>>, vector<1x16xf32>,
      %get3A_1194 = vector.shape_cast %get3A_1193 : vector<1x16xf32> to vector<16xf32>
      %mul3A_1195 = vector.broadcast %squeeze3A_1163 : f32 to vector<16xf32>
      %mul3A_1196 = arith.mulf %get3A_1194, %mul3A_1195 : vector<16xf32>
      %swap3A_1197 = arith.constant 14 : i32
      %swap3A_1198 = arith.index_cast %swap3A_1197 : i32 to index
      %swap3A_1199 = arith.constant 32 : index
      %swap3A_1200 = tpu.vector_load %arg7[%swap3A_1198, %swap3A_1199] {strides = array<i32>} : memref<16x64xf32, #tpu.memory_space<vmem>>, vector<1x16xf32>,
      %swap3A_1201 = vector.shape_cast %swap3A_1200 : vector<1x16xf32> to vector<16xf32>
      %swap3A_1202 = vector.shape_cast %mul3A_1196 : vector<16xf32> to vector<1x16xf32>
      tpu.vector_store %arg7[%swap3A_1198, %swap3A_1199], %swap3A_1202 {strides = array<i32>} : memref<16x64xf32, #tpu.memory_space<vmem>>, vector<1x16xf32>,
      %get3A_1203 = arith.constant 14 : i32
      %get3A_1204 = arith.index_cast %get3A_1203 : i32 to index
      %get3A_1205 = arith.constant 48 : index
      %get3A_1206 = tpu.vector_load %arg6[%get3A_1204, %get3A_1205] {strides = array<i32>} : memref<16x128xf32, #tpu.memory_space<vmem>>, vector<1x16xf32>,
      %get3A_1207 = vector.shape_cast %get3A_1206 : vector<1x16xf32> to vector<16xf32>
      %mul3A_1208 = vector.broadcast %squeeze3A_1163 : f32 to vector<16xf32>
      %mul3A_1209 = arith.mulf %get3A_1207, %mul3A_1208 : vector<16xf32>
      %swap3A_1210 = arith.constant 14 : i32
      %swap3A_1211 = arith.index_cast %swap3A_1210 : i32 to index
      %swap3A_1212 = arith.constant 48 : index
      %swap3A_1213 = tpu.vector_load %arg7[%swap3A_1211, %swap3A_1212] {strides = array<i32>} : memref<16x64xf32, #tpu.memory_space<vmem>>, vector<1x16xf32>,
      %swap3A_1214 = vector.shape_cast %swap3A_1213 : vector<1x16xf32> to vector<16xf32>
      %swap3A_1215 = vector.shape_cast %mul3A_1209 : vector<16xf32> to vector<1x16xf32>
      tpu.vector_store %arg7[%swap3A_1211, %swap3A_1212], %swap3A_1215 {strides = array<i32>} : memref<16x64xf32, #tpu.memory_space<vmem>>, vector<1x16xf32>,
      %slice3A_1216 = vector.extract_strided_slice %div3A {offsets = [15], sizes = [1], strides = [1]} : vector<16xf32> to vector<1xf32>
      %squeeze3A_1217 = vector.extract %slice3A_1216[0] : f32 from vector<1xf32>
      %get3A_1218 = arith.constant 15 : i32
      %get3A_1219 = arith.index_cast %get3A_1218 : i32 to index
      %get3A_1220 = arith.constant 0 : index
      %get3A_1221 = tpu.vector_load %arg6[%get3A_1219, %get3A_1220] {strides = array<i32>} : memref<16x128xf32, #tpu.memory_space<vmem>>, vector<1x16xf32>,
      %get3A_1222 = vector.shape_cast %get3A_1221 : vector<1x16xf32> to vector<16xf32>
      %mul3A_1223 = vector.broadcast %squeeze3A_1217 : f32 to vector<16xf32>
      %mul3A_1224 = arith.mulf %get3A_1222, %mul3A_1223 : vector<16xf32>
      %swap3A_1225 = arith.constant 15 : i32
      %swap3A_1226 = arith.index_cast %swap3A_1225 : i32 to index
      %swap3A_1227 = arith.constant 0 : index
      %swap3A_1228 = tpu.vector_load %arg7[%swap3A_1226, %swap3A_1227] {strides = array<i32>} : memref<16x64xf32, #tpu.memory_space<vmem>>, vector<1x16xf32>,
      %swap3A_1229 = vector.shape_cast %swap3A_1228 : vector<1x16xf32> to vector<16xf32>
      %swap3A_1230 = vector.shape_cast %mul3A_1224 : vector<16xf32> to vector<1x16xf32>
      tpu.vector_store %arg7[%swap3A_1226, %swap3A_1227], %swap3A_1230 {strides = array<i32>} : memref<16x64xf32, #tpu.memory_space<vmem>>, vector<1x16xf32>,
      %get3A_1231 = arith.constant 15 : i32
      %get3A_1232 = arith.index_cast %get3A_1231 : i32 to index
      %get3A_1233 = arith.constant 16 : index
      %get3A_1234 = tpu.vector_load %arg6[%get3A_1232, %get3A_1233] {strides = array<i32>} : memref<16x128xf32, #tpu.memory_space<vmem>>, vector<1x16xf32>,
      %get3A_1235 = vector.shape_cast %get3A_1234 : vector<1x16xf32> to vector<16xf32>
      %mul3A_1236 = vector.broadcast %squeeze3A_1217 : f32 to vector<16xf32>
      %mul3A_1237 = arith.mulf %get3A_1235, %mul3A_1236 : vector<16xf32>
      %swap3A_1238 = arith.constant 15 : i32
      %swap3A_1239 = arith.index_cast %swap3A_1238 : i32 to index
      %swap3A_1240 = arith.constant 16 : index
      %swap3A_1241 = tpu.vector_load %arg7[%swap3A_1239, %swap3A_1240] {strides = array<i32>} : memref<16x64xf32, #tpu.memory_space<vmem>>, vector<1x16xf32>,
      %swap3A_1242 = vector.shape_cast %swap3A_1241 : vector<1x16xf32> to vector<16xf32>
      %swap3A_1243 = vector.shape_cast %mul3A_1237 : vector<16xf32> to vector<1x16xf32>
      tpu.vector_store %arg7[%swap3A_1239, %swap3A_1240], %swap3A_1243 {strides = array<i32>} : memref<16x64xf32, #tpu.memory_space<vmem>>, vector<1x16xf32>,
      %get3A_1244 = arith.constant 15 : i32
      %get3A_1245 = arith.index_cast %get3A_1244 : i32 to index
      %get3A_1246 = arith.constant 32 : index
      %get3A_1247 = tpu.vector_load %arg6[%get3A_1245, %get3A_1246] {strides = array<i32>} : memref<16x128xf32, #tpu.memory_space<vmem>>, vector<1x16xf32>,
      %get3A_1248 = vector.shape_cast %get3A_1247 : vector<1x16xf32> to vector<16xf32>
      %mul3A_1249 = vector.broadcast %squeeze3A_1217 : f32 to vector<16xf32>
      %mul3A_1250 = arith.mulf %get3A_1248, %mul3A_1249 : vector<16xf32>
      %swap3A_1251 = arith.constant 15 : i32
      %swap3A_1252 = arith.index_cast %swap3A_1251 : i32 to index
      %swap3A_1253 = arith.constant 32 : index
      %swap3A_1254 = tpu.vector_load %arg7[%swap3A_1252, %swap3A_1253] {strides = array<i32>} : memref<16x64xf32, #tpu.memory_space<vmem>>, vector<1x16xf32>,
      %swap3A_1255 = vector.shape_cast %swap3A_1254 : vector<1x16xf32> to vector<16xf32>
      %swap3A_1256 = vector.shape_cast %mul3A_1250 : vector<16xf32> to vector<1x16xf32>
      tpu.vector_store %arg7[%swap3A_1252, %swap3A_1253], %swap3A_1256 {strides = array<i32>} : memref<16x64xf32, #tpu.memory_space<vmem>>, vector<1x16xf32>,
      %get3A_1257 = arith.constant 15 : i32
      %get3A_1258 = arith.index_cast %get3A_1257 : i32 to index
      %get3A_1259 = arith.constant 48 : index
      %get3A_1260 = tpu.vector_load %arg6[%get3A_1258, %get3A_1259] {strides = array<i32>} : memref<16x128xf32, #tpu.memory_space<vmem>>, vector<1x16xf32>,
      %get3A_1261 = vector.shape_cast %get3A_1260 : vector<1x16xf32> to vector<16xf32>
      %mul3A_1262 = vector.broadcast %squeeze3A_1217 : f32 to vector<16xf32>
      %mul3A_1263 = arith.mulf %get3A_1261, %mul3A_1262 : vector<16xf32>
      %swap3A_1264 = arith.constant 15 : i32
      %swap3A_1265 = arith.index_cast %swap3A_1264 : i32 to index
      %swap3A_1266 = arith.constant 48 : index
      %swap3A_1267 = tpu.vector_load %arg7[%swap3A_1265, %swap3A_1266] {strides = array<i32>} : memref<16x64xf32, #tpu.memory_space<vmem>>, vector<1x16xf32>,
      %swap3A_1268 = vector.shape_cast %swap3A_1267 : vector<1x16xf32> to vector<16xf32>
      %swap3A_1269 = vector.shape_cast %mul3A_1263 : vector<16xf32> to vector<1x16xf32>
      tpu.vector_store %arg7[%swap3A_1265, %swap3A_1266], %swap3A_1269 {strides = array<i32>} : memref<16x64xf32, #tpu.memory_space<vmem>>, vector<1x16xf32>,
      "tpu.region"() ({
        %run_scoped3A = tpu.sem_alloc : memref<!tpu.dma_semaphore, #tpu.memory_space<semaphore_mem>>
        %dma_start3A = arith.constant 0 : i32
        %dma_start3A_1271 = tpu.memref_slice %arg4[%mul3A_16, %dma_start3A] : memref<16384x64xf32, #tpu.memory_space<hbm>> -> memref<16x64xf32, #tpu.memory_space<hbm>>
        %dma_start3A_1272 = arith.constant 0 : i32
        %dma_start3A_1273 = tpu.memref_slice %arg4[%mul3A_16, %dma_start3A_1272] : memref<16384x64xf32, #tpu.memory_space<hbm>> -> memref<16x64xf32, #tpu.memory_space<hbm>>
        tpu.enqueue_dma source(%arg7 : memref<16x64xf32, #tpu.memory_space<vmem>>) target(%dma_start3A_1273 : memref<16x64xf32, #tpu.memory_space<hbm>>) target_semaphore(%run_scoped3A : memref<!tpu.dma_semaphore, #tpu.memory_space<semaphore_mem>>)
        %dma_wait3A = arith.constant 0 : i32
        %dma_wait3A_1274 = tpu.memref_slice %arg4[%mul3A_16, %dma_wait3A] : memref<16384x64xf32, #tpu.memory_space<hbm>> -> memref<16x64xf32, #tpu.memory_space<hbm>>
        %dma_wait3A_1275 = arith.constant 0 : i32
        %dma_wait3A_1276 = tpu.memref_slice %arg4[%mul3A_16, %dma_wait3A_1275] : memref<16384x64xf32, #tpu.memory_space<hbm>> -> memref<16x64xf32, #tpu.memory_space<hbm>>
        tpu.wait_dma2 semaphore(%run_scoped3A : memref<!tpu.dma_semaphore, #tpu.memory_space<semaphore_mem>>) src(%arg7 : memref<16x64xf32, #tpu.memory_space<vmem>>) dst(%dma_wait3A_1276 : memref<16x64xf32, #tpu.memory_space<hbm>>)
        tpu.yield
      }) : () -> ()
      %scan3A_1270 = arith.constant 0 : i32
      scf.yield %scan3A_1270 : i32
    }
    %scan3A_9 = arith.constant 32 : i32
    return
  }
}

module attributes {stable_mosaic.version = 14 : i64} {
  func.func @_transpose_body(%arg0: i32, %arg1: memref<64x4096xf32, #tpu.memory_space<vmem>>, %arg2: memref<4096x128xf32, #tpu.memory_space<vmem>>) attributes {dimension_semantics = [#tpu.dimension_semantics<arbitrary>], iteration_bounds = array<i64: 245>, scalar_prefetch = 0 : i64, scratch_operands = 0 : i64, tpu.core_type = #tpu.core_type<tc>, window_params = [{transform_indices = @transform_0, window_bounds = array<i64: 64, 4096>}, {transform_indices = @transform_1, window_bounds = array<i64: 4096, 128>}]} {
    %get3A = arith.constant 0 : index
    %get3A_0 = arith.constant 0 : index
    %get3A_1 = vector.load %arg1[%get3A, %get3A_0] : memref<64x4096xf32, #tpu.memory_space<vmem>>, vector<64x4096xf32>
    %transpose3A = tpu.transpose %get3A_1, [1, 0] : vector<64x4096xf32> -> vector<4096x64xf32>
    %swap3A = arith.constant 0 : index
    %swap3A_2 = arith.constant 0 : index
    %swap3A_3 = vector.load %arg2[%swap3A, %swap3A_2] : memref<4096x128xf32, #tpu.memory_space<vmem>>, vector<4096x64xf32>
    tpu.vector_store %arg2[%swap3A, %swap3A_2], %transpose3A {strides = array<i32>} : memref<4096x128xf32, #tpu.memory_space<vmem>>, vector<4096x64xf32>,
    return
  }
  func.func @transform_0(%arg0: i32) -> (i32, i32) {
    %c0_i32 = arith.constant 0 : i32
    %c0_i32_0 = arith.constant 0 : i32
    return %c0_i32, %arg0 : i32, i32
  }
  func.func @transform_1(%arg0: i32) -> (i32, i32) {
    %c0_i32 = arith.constant 0 : i32
    %c0_i32_0 = arith.constant 0 : i32
    return %arg0, %c0_i32 : i32, i32
  }
}

</mosaic_0001>

<sc_bundles>
// kernel: _encode.4.cloned.1.call-start
scs
__scs_entry_jumppad:
0x0: {  	(pc) =	sbr.rel $0x88, $3  }
0x1: {  	(tag) =	ssettag $0x0;
	lr =	simm.s32 $0x1  }
0x2: {  	[smem:$0x3F9F] =	sst lr;
	_ =	strace $0xD0000000  }
0x3: {  	_ = 	snop  }
0x4: {  	_ = 	snop  }
0x5: {  	_ = 	snop  }
0x6: {  	_ = 	snop  }
0x7: {  	_ = 	snop  }
__scs_overlays_trampoline_lowered:
0x8: {  	[smem:$0x3FAE] =	sst s0  }
0x9: {  	[smem:$0x3FAF] =	sst s1  }
0xa: {  	[smem:$0x3FB0] =	sst s2  }
0xb: {  	[smem:$0x3FB1] =	sst s3  }
0xc: {  	[smem:$0x3FB2] =	sst s4  }
0xd: {  	[smem:$0x3FB3] =	sst s5  }
0xe: {  	[smem:$0x3FB4] =	sst s6  }
0xf: {  	[smem:$0x3FB5] =	sst s7  }
0x10: {  	[smem:$0x3FB6] =	sst s8  }
0x11: {  	[smem:$0x3FB7] =	sst s9;
	s0 =	simm.s32 @!p0 $0x0  }
0x12: {  	s1 =	sld [smem:$0x3F9D];
	s0 =	simm.s32 @p0 $0x1  }
0x13: {  	[smem:$0x3FB8] =	sst s0;
	s0 =	simm.s32 @!p1 $0x0  }
0x14: {  	s2 =	sld [smem:$0x3F9C];
	s0 =	simm.s32 @p1 $0x1  }
0x15: {  	[smem:$0x3FB9] =	sst s0;
	s0 =	simm.s32 @!p2 $0x0  }
0x16: {  	s3 =	sld [smem:$0x3FDB];
	s0 =	simm.s32 @p2 $0x1  }
0x17: {  	s4 =	simm.s32 $0x1BF5;
	[smem:$0x3FBB] =	sst s0  }
0x18: {  	s0 =	sld [smem:$0x3F9E];
	_ =	swait.ge [sflag:s4], $0x0  }
0x19: {  	s7 =	sld [smem:$0x3F9F]  }
0x1a: {  	s8 =	sadd.s32 $0xFFFFE003, lr  }
0x1b: {  	s9 =	sadd.s32 $0xFFFFFEF7, lr;
	s5 =	simm.s32 $0xFFFFFFFF;
	p2 =	slt.u32 s8, $0xFFFFF086  }
0x1c: {  	p1 =	slt.u32 s9, $0xF7A;
	s5 =	simm.s32 @!p2 $0x0  }
0x1d: {  	s5 =	simm.s32 @p1 $0x1;
	p0 =	seq.s32 s7, s2  }
0x1e: {  	s7 =	smul.u32 @!p0 $0xF7A, s2;
	p2 =	seq.s32 @!p0 s5, $0x0  }
0x1f: {  	s9 =	smul.u32 $0xF7A, s1;
	s8 =	simm.s32 @!p0 $0x1BF5;
	p2 =	por !p2, p0  }
0x20: {  	[sflag:s8] =	ssyncset.s32 @!p0 $0xFFFFF086;
	s6 =	sadd.s32 @!p0 s3, s7;
	s7 =	simm.s32 @!p0 $0x108  }
0x21: {  	s3 =	sadd.s32 s3, s9;
	s6 =	sadd.s32 @!p0 $0x88, s6;
	s7 =	simm.s32 @p2 $0x1082  }
0x22: {  	[simem:s7], [sflag:s8] =	dma.local @!p0 [hbm:s6], $0xF7A  }
0x23: {  	s9 =	sor.u32 $0xD0000000, s2;
	s6 =	simm.s32 $0x108;
	_ =	swait.ge @!p0 [sflag:s8], $0x0  }
0x24: {  	s3 =	sadd.s32 $0x88, s3;
	s6 =	simm.s32 @!p1 $0x1082;
	[sflag:s4] =	ssyncset.s32 $0xFFFFF086  }
0x25: {  	[simem:s6], [sflag:s4] =	dma.local [hbm:s3], $0xF7A  }
0x26: {  	[smem:$0x3F9F] =	sst s1;
	(tag) =	ssettag s2;
	_ =	strace s9  }
0x27: {  	s1 =	sld [smem:$0x3FAF]  }
0x28: {  	s2 =	sld [smem:$0x3FB0]  }
0x29: {  	s4 =	sld [smem:$0x3FB2]  }
0x2a: {  	p0 =	seq.s32 s5, $0x0;
	s5 =	sld [smem:$0x3FB3]  }
0x2b: {  	s6 =	sld [smem:$0x3FB4]  }
0x2c: {  	s7 =	sld [smem:$0x3FB5]  }
0x2d: {  	s3 =	simm.s32 $0x108;
	s8 =	sld [smem:$0x3FB6]  }
0x2e: {  	s3 =	simm.s32 @!p0 $0x1082;
	s9 =	sld [smem:$0x3FB7]  }
0x2f: {  	lr =	sadd.s32 s0, s3;
	s0 =	sld [smem:$0x3FAE]  }
0x30: {  	s3 =	sld [smem:$0x3FB1]  }
0x31: {  	[smem:$0x3FBA] =	sst s10  }
0x32: {  	s10 =	sld [smem:$0x3FB8];
	_ =	sdelay $0x3  }
0x33: {  	p0 =	seq.s32 s10, $0x1;
	s10 =	sld [smem:$0x3FBA];
	_ =	sdelay $0x3  }
0x34: {  	[smem:$0x3FBA] =	sst s10  }
0x35: {  	s10 =	sld [smem:$0x3FB9];
	_ =	sdelay $0x3  }
0x36: {  	p1 =	seq.s32 s10, $0x1;
	s10 =	sld [smem:$0x3FBA];
	_ =	sdelay $0x3  }
0x37: {  	[smem:$0x3FBA] =	sst s10  }
0x38: {  	s10 =	sld [smem:$0x3FBB]  }
0x39: {  	_ = 	snop;
	(pc) =	sbr.ind lr, $3  }
0x3a: {  	_ = 	snop  }
0x3b: {  	_ = 	snop  }
0x3c: {  	p2 =	seq.s32 s10, $0x1;
	s10 =	sld [smem:$0x3FBA]  }
0x3d: {  	_ =	shalt  }
0x3e: {  	_ =	shalt  }
0x3f: {  	_ =	shalt  }
0x40: {  	_ =	shalt  }
0x41: {  	_ =	shalt  }
0x42: {  	_ =	shalt  }
0x43: {  	_ =	shalt  }
0x44: {  	_ =	shalt  }
0x45: {  	_ =	shalt  }
0x46: {  	_ =	shalt  }
0x47: {  	_ =	shalt  }
0x48: {  	_ =	shalt  }
0x49: {  	_ =	shalt  }
0x4a: {  	_ =	shalt  }
0x4b: {  	_ =	shalt  }
0x4c: {  	_ =	shalt  }
0x4d: {  	_ =	shalt  }
0x4e: {  	_ =	shalt  }
0x4f: {  	_ =	shalt  }
0x50: {  	_ =	shalt  }
0x51: {  	_ =	shalt  }
0x52: {  	_ =	shalt  }
0x53: {  	_ =	shalt  }
0x54: {  	_ =	shalt  }
0x55: {  	_ =	shalt  }
0x56: {  	_ =	shalt  }
0x57: {  	_ =	shalt  }
0x58: {  	_ =	shalt  }
0x59: {  	_ =	shalt  }
0x5a: {  	_ =	shalt  }
0x5b: {  	_ =	shalt  }
0x5c: {  	_ =	shalt  }
0x5d: {  	_ =	shalt  }
0x5e: {  	_ =	shalt  }
0x5f: {  	_ =	shalt  }
0x60: {  	_ =	shalt  }
0x61: {  	_ =	shalt  }
0x62: {  	_ =	shalt  }
0x63: {  	_ =	shalt  }
0x64: {  	_ =	shalt  }
0x65: {  	_ =	shalt  }
0x66: {  	_ =	shalt  }
0x67: {  	_ =	shalt  }
0x68: {  	_ =	shalt  }
0x69: {  	_ =	shalt  }
0x6a: {  	_ =	shalt  }
0x6b: {  	_ =	shalt  }
0x6c: {  	_ =	shalt  }
0x6d: {  	_ =	shalt  }
0x6e: {  	_ =	shalt  }
0x6f: {  	_ =	shalt  }
0x70: {  	_ =	shalt  }
0x71: {  	_ =	shalt  }
0x72: {  	_ =	shalt  }
0x73: {  	_ =	shalt  }
0x74: {  	_ =	shalt  }
0x75: {  	_ =	shalt  }
0x76: {  	_ =	shalt  }
0x77: {  	_ =	shalt  }
0x78: {  	_ =	shalt  }
0x79: {  	_ =	shalt  }
0x7a: {  	_ =	shalt  }
0x7b: {  	_ =	shalt  }
0x7c: {  	_ =	shalt  }
0x7d: {  	_ =	shalt  }
0x7e: {  	_ =	shalt  }
0x7f: {  	_ =	shalt  }
0x80: {  	_ =	shalt  }
0x81: {  	_ =	shalt  }
0x82: {  	_ =	shalt  }
0x83: {  	_ =	shalt  }
0x84: {  	_ =	shalt  }
0x85: {  	_ =	shalt  }
0x86: {  	_ =	shalt  }
0x87: {  	_ =	shalt  }
.Lfunc_end0:
.L_simem_size_0:
called_computation_lowered:
.L_overlay_start_0:
0x88: {  	s2 =	sld [smem:$0x3FD9]  }
0x89: {  	s3 =	sld [smem:$0x3FFE];
	_ =	sdelay $0x1  }
0x8a: {  	s1 =	srdreg.scid  }
0x8b: {  	s0 =	sand.u32 $0x1, s1  }
0x8c: {  	s16 =	sshll.u32 s0, $0xA;
	s2 =	sadd.s32 s3, s2  }
0x8d: {  	s2 =	sadd.s32 s2, s16  }
0x8e: {  	[smem:$0x3FC6] =	sst s2  }
0x8f: {  	_ = 	snop  }
0x90: {  	(tm) =	ssettm $0x1  }
0x91: {  	s17 =	sld [smem:$0x3FFB];
	_ =	sdelay $0x3  }
0x92: {  	_ =	strace s17  }
0x93: {  	s2 =	sld [smem:$0x3FFC];
	_ =	sdelay $0x3  }
0x94: {  	_ =	strace s2  }
0x95: {  	s2 =	sld [smem:$0x3FFD];
	_ =	sdelay $0x3  }
0x96: {  	_ =	strace s2  }
0x97: {  	_ =	strace $0x8FFFFFFF  }
0x98: {  	s18 =	sld [smem:$0x3FDB];
	_ =	sdelay $0x1  }
0x99: {  	s19 =	simm.s32 $_scs_section_size  }
0x9a: {  	s4 =	simm.s32 $_size__tile_overlayer_lowered;
	s5 =	simm.s32 $_tile_overlayer_lowered  }
0x9b: {  	s22 =	simm.s32 $0x1BFF;
	s21 =	sshll.u32 s5, $0x1;
	s2 =	sadd.s32 s19, s18  }
0x9c: {  	s6 =	simm.s32 $0x0;
	s20 =	sshll.u32 s4, $0x1;
	s4 =	sadd.s32 s21, s2  }
0x9d: {  	[timem:s6], [sflag:s22] =	dma.local [hbm:s4], s20  }
0x9e: {  	_ =	swait.ge [sflag:s22], s20  }
0x9f: {  	s3 =	ssub.s32 $0x0, s20;
	[sflag:s22] =	ssyncset.done $0x0  }
0xa0: {  	[sflag:s22] =	ssyncadd.s32 s3;
	_ =	sdelay $0x1  }
0xa1: {  	s23 =	simm.s32 $0x1B8B  }
0xa2: {  	_ =	swait.ge [sflag:s23], $0x1  }
0xa3: {  	[sflag:s23] =	ssyncset.done $0x0  }
0xa4: {  	s25 =	simm.s32 $0x1B8E;
	s24 =	sld [smem:$0x3FFE];
	[sflag:s23] =	ssyncadd.s32 $0xFFFFFFFF  }
0xa5: {  	s26 =	simm.s32 $execute0_lowered;
	[smem:$0x3FD2] =	sst s25  }
0xa6: {  	s4 =	sshll.u32 s26, $0x1;
	_ =	strace $0x80000046;
	[dreg:$0x1] =	wrdreg $0xFFFFFFFF  }
0xa7: {  	s28 =	simm.s32 $_size_execute0_lowered;
	s2 =	sadd.s32 s2, s4;
	[dreg:$0x0] =	wrdreg $0x0  }
0xa8: {  	s4 =	sshll.u32 s28, $0x1;
	[dreg:$0x2] =	wrdreg s2  }
0xa9: {  	[dreg:$0x3] =	wrdreg s4  }
0xaa: {  	[dreg:$0x4] =	wrdreg $0xC0  }
0xab: {  	_ =	task [dreg:s6], $0x5FFFF  }
0xac: {  	[dreg:$0x1] =	wrdreg $0xFFFFFFFF  }
0xad: {  	[dreg:$0x0] =	wrdreg $0x60  }
0xae: {  	[dreg:$0x2] =	wrdreg s24  }
0xaf: {  	[dreg:$0x3] =	wrdreg $0x9  }
0xb0: {  	_ =	task.clear_ibuf [dreg:s6], $0x4FFFF;
	_ =	strace $0x90000046  }
0xb1: {  	s29 =	simm.s32 $0x9;
	_ =	strace $0x80000048  }
0xb2: {  	_ =	swait.ge [sflag:s29], $0x1  }
0xb3: {  	[sflag:s29] =	ssyncadd.s32 $0xFFFFFFFF  }
0xb4: {  	_ =	strace $0x90000048  }
0xb5: {  	_ =	sfence  }
0xb6: {  	s30 =	sld [smem:$0x0];
	_ =	sdelay $0x2  }
0xb7: {  	s31 =	sshll.u32 s1, $0xD;
	s1 =	sshrl.u32 s1, $0x2  }
0xb8: {  	s3 =	sand.u32 $0x4000, s31;
	s1 =	sadd.s32 s1, s30  }
0xb9: {  	s0 =	sor.u32 s3, s0;
	s1 =	sshll.u32 s1, $0x11  }
0xba: {  	s0 =	sor.u32 s1, s0  }
0xbb: {  	s0 =	sadd.s32 $0x8F2B, s0  }
0xbc: {  	[sflag:s0] =	ssyncadd.remote.s32 $0x1  }
0xbd: {  	_ =	sfence.sel $0xFFFF  }
0xbe: {  	[dreg:$0x0] =	wrdreg $0xFFFFFFFF;
	(pc) =	sbr.abs _section_cstart, $3  }
0xbf: {  	[dreg:$0x1] =	wrdreg $0xFFFFFFFF  }
0xc0: {  	_ =	task.clear_ibuf [dreg:s6], $0x2FFFF;
	_ =	strace $0x9FFFFFFF  }
0xc1: {  	(tm) =	ssettm $0x7FFFFFFF  }
tec
execute0_lowered:
.L_overlay_start_1:
0x0: {  	(tag) =	ssettag $0x1  }
0x1: {  	s5 =	rddreg [dreg:$0x0]  }
0x2: {  	s0 =	rddreg [dreg:$0x1];
	s1 =	simm.s32 $0x0  }
0x3: {  	s2 =	srdreg.scid;
	s9 =	simm.s32 $0x10;
	s10 =	simm.s32 $0x1C00  }
0x4: {  	s11 =	simm.s32 $0x1;
	s12 =	simm.s32 $0x2400;
	s13 =	simm.s32 $0x0  }
0x5: {  	[smem:$0x7FF] =	sst s1;
	s6 =	sand.u32 $0x1, s2;
	s3 =	sadd.s32 $0x400, s5  }
0x6: {  	s4 =	sadd.s32 $0xE0400, s5;
	s2 =	stileid.u32;
	s7 =	ssub.s32 $0x2, s6  }
0x7: {  	s5 =	sadd.s32 $0x1022800, s5;
	_ =	strace $0x80000047;
	s8 =	sshrl.u32 s7, $0x1  }
0x8: {  	s31 =	sshll.u32 s2, $0x6;
	s6 =	sshll.u32 s6, $0x5;
	s7 =	ssub.s32 s7, s8  }
0x9: {  	v0 =	vimm.f32 $1.000000000e+00;
	s6 =	sor.u32 s6, s31;
	s8 =	simm.s32 $0x2;
	s7 =	smax.u32 s7, $0x1  }
.LBB2_1:
0xa: {  	s14 =	simm.s32 $0x0  }
.LBB2_2:
0xb: {  	s15 =	sadd.s32 s6, s14  }
0xc: {  	s16 =	smul.u32 $0x380, s15;
	_ =	sdelay $0x1  }
0xd: {  	s17 =	simm.s32 $0x0;
	s16 =	sadd.s32 s3, s16  }
0xe: {  	[tilespmem:s17], [sflag:$0x2] =	stream.linear.gather [hbm4b:s16+s17], $0x1900, $0x38;
	[tilespmem:$0x2C00] =	vst v63  }
0xf: {  	_ =	swait.ge [sflag:s8], $0x1900  }
0x10: {  	[sflag:s8] =	ssyncset.done $0x0  }
0x11: {  	v1 =	vimm.f32 $0.0e+00;
	[sflag:s8] =	ssyncadd.s32 $0xFFFFE700  }
0x12: {  	[tilespmem:$0x1C00] =	vst v1  }
0x13: {  	[tilespmem:$0x1C10] =	vst v1  }
0x14: {  	[tilespmem:$0x1C20] =	vst v1  }
0x15: {  	[tilespmem:$0x1C30] =	vst v1  }
0x16: {  	[tilespmem:$0x1C80] =	vst v1  }
0x17: {  	[tilespmem:$0x1C90] =	vst v1  }
0x18: {  	[tilespmem:$0x1CA0] =	vst v1  }
0x19: {  	[tilespmem:$0x1CB0] =	vst v1  }
0x1a: {  	[tilespmem:$0x1D00] =	vst v1  }
0x1b: {  	[tilespmem:$0x1D10] =	vst v1  }
0x1c: {  	[tilespmem:$0x1D20] =	vst v1  }
0x1d: {  	[tilespmem:$0x1D30] =	vst v1  }
0x1e: {  	[tilespmem:$0x1D80] =	vst v1  }
0x1f: {  	[tilespmem:$0x1D90] =	vst v1  }
0x20: {  	[tilespmem:$0x1DA0] =	vst v1  }
0x21: {  	[tilespmem:$0x1DB0] =	vst v1  }
0x22: {  	[tilespmem:$0x1E00] =	vst v1  }
0x23: {  	[tilespmem:$0x1E10] =	vst v1  }
0x24: {  	[tilespmem:$0x1E20] =	vst v1  }
0x25: {  	[tilespmem:$0x1E30] =	vst v1  }
0x26: {  	[tilespmem:$0x1E80] =	vst v1  }
0x27: {  	[tilespmem:$0x1E90] =	vst v1  }
0x28: {  	[tilespmem:$0x1EA0] =	vst v1  }
0x29: {  	[tilespmem:$0x1EB0] =	vst v1  }
0x2a: {  	[tilespmem:$0x1F00] =	vst v1  }
0x2b: {  	[tilespmem:$0x1F10] =	vst v1  }
0x2c: {  	[tilespmem:$0x1F20] =	vst v1  }
0x2d: {  	[tilespmem:$0x1F30] =	vst v1  }
0x2e: {  	[tilespmem:$0x1F80] =	vst v1  }
0x2f: {  	[tilespmem:$0x1F90] =	vst v1  }
0x30: {  	[tilespmem:$0x1FA0] =	vst v1  }
0x31: {  	[tilespmem:$0x1FB0] =	vst v1  }
0x32: {  	[tilespmem:$0x2000] =	vst v1  }
0x33: {  	[tilespmem:$0x2010] =	vst v1  }
0x34: {  	[tilespmem:$0x2020] =	vst v1  }
0x35: {  	[tilespmem:$0x2030] =	vst v1  }
0x36: {  	[tilespmem:$0x2080] =	vst v1  }
0x37: {  	[tilespmem:$0x2090] =	vst v1  }
0x38: {  	[tilespmem:$0x20A0] =	vst v1  }
0x39: {  	[tilespmem:$0x20B0] =	vst v1  }
0x3a: {  	[tilespmem:$0x2100] =	vst v1  }
0x3b: {  	[tilespmem:$0x2110] =	vst v1  }
0x3c: {  	[tilespmem:$0x2120] =	vst v1  }
0x3d: {  	[tilespmem:$0x2130] =	vst v1  }
0x3e: {  	[tilespmem:$0x2180] =	vst v1  }
0x3f: {  	[tilespmem:$0x2190] =	vst v1  }
0x40: {  	[tilespmem:$0x21A0] =	vst v1  }
0x41: {  	[tilespmem:$0x21B0] =	vst v1  }
0x42: {  	[tilespmem:$0x2200] =	vst v1  }
0x43: {  	[tilespmem:$0x2210] =	vst v1  }
0x44: {  	[tilespmem:$0x2220] =	vst v1  }
0x45: {  	[tilespmem:$0x2230] =	vst v1  }
0x46: {  	[tilespmem:$0x2280] =	vst v1  }
0x47: {  	[tilespmem:$0x2290] =	vst v1  }
0x48: {  	[tilespmem:$0x22A0] =	vst v1  }
0x49: {  	[tilespmem:$0x22B0] =	vst v1  }
0x4a: {  	[tilespmem:$0x2300] =	vst v1  }
0x4b: {  	[tilespmem:$0x2310] =	vst v1  }
0x4c: {  	[tilespmem:$0x2320] =	vst v1  }
0x4d: {  	[tilespmem:$0x2330] =	vst v1  }
0x4e: {  	[tilespmem:$0x2380] =	vst v1  }
0x4f: {  	[tilespmem:$0x2390] =	vst v1  }
0x50: {  	[tilespmem:$0x23A0] =	vst v1  }
0x51: {  	s21 =	simm.s32 $0x0;
	[tilespmem:$0x23B0] =	vst v1  }
0x52: {  	v2 =	vld [tilespmem:s21+$0x0];
	[tilespmem:s10], [sflag:$0x1] =	stream.indirect.gather.add.f32 [hbm:s4], $0x80, s21, s9, $0xb8  }
0x53: {  	s22 =	simm.s32 $0x80  }
0x54: {  	v3 =	vld [tilespmem:s21+$0x80];
	[tilespmem:s10], [sflag:$0x1] =	stream.indirect.gather.add.f32 [hbm:s4], $0x80, s22, s9, $0xb8  }
0x55: {  	s23 =	simm.s32 $0x100  }
0x56: {  	v4 =	vld [tilespmem:s21+$0x100];
	[tilespmem:s10], [sflag:$0x1] =	stream.indirect.gather.add.f32 [hbm:s4], $0x80, s23, s9, $0xb8  }
0x57: {  	s24 =	simm.s32 $0x180  }
0x58: {  	v5 =	vld [tilespmem:s21+$0x180];
	[tilespmem:s10], [sflag:$0x1] =	stream.indirect.gather.add.f32 [hbm:s4], $0x80, s24, s9, $0xb8  }
0x59: {  	s25 =	simm.s32 $0x200  }
0x5a: {  	v6 =	vld [tilespmem:s21+$0x200];
	[tilespmem:s10], [sflag:$0x1] =	stream.indirect.gather.add.f32 [hbm:s4], $0x80, s25, s9, $0xb8  }
0x5b: {  	s26 =	simm.s32 $0x280  }
0x5c: {  	v7 =	vld [tilespmem:s21+$0x280];
	[tilespmem:s10], [sflag:$0x1] =	stream.indirect.gather.add.f32 [hbm:s4], $0x80, s26, s9, $0xb8  }
0x5d: {  	s28 =	simm.s32 $0x300  }
0x5e: {  	v8 =	vld [tilespmem:s21+$0x300];
	[tilespmem:s10], [sflag:$0x1] =	stream.indirect.gather.add.f32 [hbm:s4], $0x80, s28, s9, $0xb8  }
0x5f: {  	s29 =	simm.s32 $0x380  }
0x60: {  	v9 =	vld [tilespmem:s21+$0x380];
	[tilespmem:s10], [sflag:$0x1] =	stream.indirect.gather.add.f32 [hbm:s4], $0x80, s29, s9, $0xb8  }
0x61: {  	s30 =	simm.s32 $0x400  }
0x62: {  	v10 =	vld [tilespmem:s21+$0x400];
	[tilespmem:s10], [sflag:$0x1] =	stream.indirect.gather.add.f32 [hbm:s4], $0x80, s30, s9, $0xb8  }
0x63: {  	s31 =	simm.s32 $0x480  }
0x64: {  	v11 =	vld [tilespmem:s21+$0x480];
	[tilespmem:s10], [sflag:$0x1] =	stream.indirect.gather.add.f32 [hbm:s4], $0x80, s31, s9, $0xb8  }
0x65: {  	_ =	swait.ge [sflag:s11], $0x800  }
0x66: {  	[sflag:s11] =	ssyncset.done $0x0  }
0x67: {  	[sflag:s11] =	ssyncadd.s32 $0xFFFFF800  }
0x68: {  	_ =	swait.ge [sflag:s11], $0x800  }
0x69: {  	[sflag:s11] =	ssyncset.done $0x0  }
0x6a: {  	[sflag:s11] =	ssyncadd.s32 $0xFFFFF800  }
0x6b: {  	_ =	swait.ge [sflag:s11], $0x800  }
0x6c: {  	[sflag:s11] =	ssyncset.done $0x0  }
0x6d: {  	vm0 =	veq.s32 v2, $0x0;
	[sflag:s11] =	ssyncadd.s32 $0xFFFFF800  }
0x6e: {  	v2 =	vsel vm0, $0x0, v0;
	_ =	swait.ge [sflag:s11], $0x800  }
0x6f: {  	vm7 =	veq.s32 v3, $0x0;
	v1 =	vadd.f32 v2, v1;
	[sflag:s11] =	ssyncset.done $0x0  }
0x70: {  	v2 =	vsel vm7, $0x0, v0;
	[sflag:s11] =	ssyncadd.s32 $0xFFFFF800  }
0x71: {  	vm8 =	veq.s32 v4, $0x0;
	v1 =	vadd.f32 v2, v1;
	_ =	swait.ge [sflag:s11], $0x800  }
0x72: {  	v2 =	vsel vm8, $0x0, v0;
	[sflag:s11] =	ssyncset.done $0x0  }
0x73: {  	vm9 =	veq.s32 v5, $0x0;
	v1 =	vadd.f32 v2, v1;
	[sflag:s11] =	ssyncadd.s32 $0xFFFFF800  }
0x74: {  	v2 =	vsel vm9, $0x0, v0;
	_ =	swait.ge [sflag:s11], $0x800  }
0x75: {  	vm10 =	veq.s32 v6, $0x0;
	v1 =	vadd.f32 v2, v1;
	[sflag:s11] =	ssyncset.done $0x0  }
0x76: {  	v2 =	vsel vm10, $0x0, v0;
	[sflag:s11] =	ssyncadd.s32 $0xFFFFF800  }
0x77: {  	vm11 =	veq.s32 v7, $0x0;
	v1 =	vadd.f32 v2, v1;
	_ =	swait.ge [sflag:s11], $0x800  }
0x78: {  	v2 =	vsel vm11, $0x0, v0;
	[sflag:s11] =	ssyncset.done $0x0  }
0x79: {  	vm12 =	veq.s32 v8, $0x0;
	v1 =	vadd.f32 v2, v1;
	[sflag:s11] =	ssyncadd.s32 $0xFFFFF800  }
0x7a: {  	v2 =	vsel vm12, $0x0, v0;
	_ =	swait.ge [sflag:s11], $0x800  }
0x7b: {  	vm13 =	veq.s32 v9, $0x0;
	v1 =	vadd.f32 v2, v1;
	[sflag:s11] =	ssyncset.done $0x0  }
0x7c: {  	v2 =	vsel vm13, $0x0, v0;
	[sflag:s11] =	ssyncadd.s32 $0xFFFFF800  }
0x7d: {  	vm14 =	veq.s32 v10, $0x0;
	v1 =	vadd.f32 v2, v1;
	_ =	swait.ge [sflag:s11], $0x800  }
0x7e: {  	v2 =	vsel vm14, $0x0, v0;
	[sflag:s11] =	ssyncset.done $0x0  }
0x7f: {  	vm15 =	veq.s32 v11, $0x0;
	v1 =	vadd.f32 v2, v1;
	[sflag:s11] =	ssyncadd.s32 $0xFFFFF800  }
0x80: {  	v2 =	vsel vm15, $0x0, v0;
	_ =	swait.ge [sflag:s11], $0x800  }
0x81: {  	s19 =	simm.s32 $0x2800;
	s16 =	simm.s32 $0x1400;
	v1 =	vadd.f32 v2, v1;
	[sflag:s11] =	ssyncset.done $0x0  }
.LBB2_3:
0x82: {  	s18 =	sshra.s32 s16, $0x2  }
0x83: {  	[sflag:s11] =	ssyncadd.s32 $0xFFFFF800;
	s16 =	smov.u32 s19;
	s17 =	sadd.s32 $0x1400, s19  }
0x84: {  	p0 =	sne.s32 s19, $0x5000;
	v2 =	vld [tilespmem:s18+$0x0]  }
0x85: {  	[tilespmem:s10], [sflag:$0x1] =	stream.indirect.gather.add.f32 [hbm:s4], $0x80, s18, s9, $0xb8;
	[tilespmem:$0x2C00] =	vst v63  }
0x86: {  	s19 =	sadd.s32 $0x80, s18;
	v3 =	vld [tilespmem:s18+$0x80]  }
0x87: {  	[tilespmem:s10], [sflag:$0x1] =	stream.indirect.gather.add.f32 [hbm:s4], $0x80, s19, s9, $0xb8;
	[tilespmem:$0x2C00] =	vst v63  }
0x88: {  	s19 =	sadd.s32 $0x100, s18;
	v4 =	vld [tilespmem:s18+$0x100]  }
0x89: {  	vm0 =	veq.s32 v2, $0x0;
	[tilespmem:s10], [sflag:$0x1] =	stream.indirect.gather.add.f32 [hbm:s4], $0x80, s19, s9, $0xb8;
	[tilespmem:$0x2C00] =	vst v63  }
0x8a: {  	s19 =	sadd.s32 $0x180, s18;
	v2 =	vsel vm0, $0x0, v0;
	v5 =	vld [tilespmem:s18+$0x180]  }
0x8b: {  	v1 =	vadd.f32 v2, v1;
	vm0 =	veq.s32 v3, $0x0;
	[tilespmem:s10], [sflag:$0x1] =	stream.indirect.gather.add.f32 [hbm:s4], $0x80, s19, s9, $0xb8;
	[tilespmem:$0x2C00] =	vst v63  }
0x8c: {  	s19 =	sadd.s32 $0x200, s18;
	v2 =	vsel vm0, $0x0, v0;
	v3 =	vld [tilespmem:s18+$0x200]  }
0x8d: {  	v1 =	vadd.f32 v2, v1;
	vm0 =	veq.s32 v4, $0x0;
	[tilespmem:s10], [sflag:$0x1] =	stream.indirect.gather.add.f32 [hbm:s4], $0x80, s19, s9, $0xb8;
	[tilespmem:$0x2C00] =	vst v63  }
0x8e: {  	s19 =	sadd.s32 $0x280, s18;
	v2 =	vsel vm0, $0x0, v0;
	v4 =	vld [tilespmem:s18+$0x280]  }
0x8f: {  	v1 =	vadd.f32 v2, v1;
	vm0 =	veq.s32 v5, $0x0;
	[tilespmem:s10], [sflag:$0x1] =	stream.indirect.gather.add.f32 [hbm:s4], $0x80, s19, s9, $0xb8;
	[tilespmem:$0x2C00] =	vst v63  }
0x90: {  	s19 =	sadd.s32 $0x300, s18;
	v2 =	vsel vm0, $0x0, v0;
	v5 =	vld [tilespmem:s18+$0x300]  }
0x91: {  	v1 =	vadd.f32 v2, v1;
	vm0 =	veq.s32 v3, $0x0;
	[tilespmem:s10], [sflag:$0x1] =	stream.indirect.gather.add.f32 [hbm:s4], $0x80, s19, s9, $0xb8;
	[tilespmem:$0x2C00] =	vst v63  }
0x92: {  	s19 =	sadd.s32 $0x380, s18;
	v2 =	vsel vm0, $0x0, v0;
	v3 =	vld [tilespmem:s18+$0x380]  }
0x93: {  	v1 =	vadd.f32 v2, v1;
	vm0 =	veq.s32 v4, $0x0;
	[tilespmem:s10], [sflag:$0x1] =	stream.indirect.gather.add.f32 [hbm:s4], $0x80, s19, s9, $0xb8;
	[tilespmem:$0x2C00] =	vst v63  }
0x94: {  	s19 =	sadd.s32 $0x400, s18;
	v2 =	vsel vm0, $0x0, v0;
	v4 =	vld [tilespmem:s18+$0x400]  }
0x95: {  	v1 =	vadd.f32 v2, v1;
	vm0 =	veq.s32 v5, $0x0;
	[tilespmem:s10], [sflag:$0x1] =	stream.indirect.gather.add.f32 [hbm:s4], $0x80, s19, s9, $0xb8;
	[tilespmem:$0x2C00] =	vst v63  }
0x96: {  	s19 =	sadd.s32 $0x480, s18;
	v2 =	vsel vm0, $0x0, v0;
	v5 =	vld [tilespmem:s18+$0x480]  }
0x97: {  	v1 =	vadd.f32 v2, v1;
	vm0 =	veq.s32 v3, $0x0;
	[tilespmem:s10], [sflag:$0x1] =	stream.indirect.gather.add.f32 [hbm:s4], $0x80, s19, s9, $0xb8;
	[tilespmem:$0x2C00] =	vst v63  }
0x98: {  	v2 =	vsel vm0, $0x0, v0;
	_ =	swait.ge [sflag:s11], $0x800  }
0x99: {  	v1 =	vadd.f32 v2, v1;
	vm0 =	veq.s32 v4, $0x0;
	[sflag:s11] =	ssyncset.done $0x0  }
0x9a: {  	v2 =	vsel vm0, $0x0, v0;
	[sflag:s11] =	ssyncadd.s32 $0xFFFFF800  }
0x9b: {  	v1 =	vadd.f32 v2, v1;
	vm0 =	veq.s32 v5, $0x0;
	_ =	swait.ge [sflag:s11], $0x800  }
0x9c: {  	v2 =	vsel vm0, $0x0, v0;
	[sflag:s11] =	ssyncset.done $0x0  }
0x9d: {  	v1 =	vadd.f32 v2, v1;
	[sflag:s11] =	ssyncadd.s32 $0xFFFFF800  }
0x9e: {  	_ =	swait.ge [sflag:s11], $0x800  }
0x9f: {  	[sflag:s11] =	ssyncset.done $0x0  }
0xa0: {  	[sflag:s11] =	ssyncadd.s32 $0xFFFFF800  }
0xa1: {  	_ =	swait.ge [sflag:s11], $0x800  }
0xa2: {  	[sflag:s11] =	ssyncset.done $0x0  }
0xa3: {  	[sflag:s11] =	ssyncadd.s32 $0xFFFFF800  }
0xa4: {  	_ =	swait.ge [sflag:s11], $0x800  }
0xa5: {  	[sflag:s11] =	ssyncset.done $0x0  }
0xa6: {  	[sflag:s11] =	ssyncadd.s32 $0xFFFFF800  }
0xa7: {  	_ =	swait.ge [sflag:s11], $0x800  }
0xa8: {  	[sflag:s11] =	ssyncset.done $0x0  }
0xa9: {  	[sflag:s11] =	ssyncadd.s32 $0xFFFFF800  }
0xaa: {  	_ =	swait.ge [sflag:s11], $0x800  }
0xab: {  	[sflag:s11] =	ssyncset.done $0x0  }
0xac: {  	[sflag:s11] =	ssyncadd.s32 $0xFFFFF800  }
0xad: {  	_ =	swait.ge [sflag:s11], $0x800  }
0xae: {  	[sflag:s11] =	ssyncset.done $0x0  }
0xaf: {  	[sflag:s11] =	ssyncadd.s32 $0xFFFFF800  }
.Ltmp0:
0xb0: {  	_ =	swait.ge [sflag:s11], $0x800;
	(pc) =	sbr.rel @p0 .LBB2_3-.Ltmp0, $4  }
0xb1: {  	[sflag:s11] =	ssyncset.done $0x0  }
0xb2: {  	[sflag:s11] =	ssyncadd.s32 $0xFFFFF800  }
0xb3: {  	_ =	swait.ge [sflag:s11], $0x800  }
0xb4: {  	s19 =	smov.u32 s17;
	[sflag:s11] =	ssyncset.done $0x0  }
0xb5: {  	s16 =	sshra.s32 s16, $0x2;
	[sflag:s11] =	ssyncadd.s32 $0xFFFFF800  }
0xb6: {  	v2 =	vld [tilespmem:s16+$0x0];
	[tilespmem:s10], [sflag:$0x1] =	stream.indirect.gather.add.f32 [hbm:s4], $0x80, s16, s9, $0xb8  }
0xb7: {  	s17 =	sadd.s32 $0x80, s16  }
0xb8: {  	v3 =	vld [tilespmem:s16+$0x80];
	[tilespmem:s10], [sflag:$0x1] =	stream.indirect.gather.add.f32 [hbm:s4], $0x80, s17, s9, $0xb8  }
0xb9: {  	s23 =	sadd.s32 $0x100, s16  }
0xba: {  	v4 =	vld [tilespmem:s16+$0x100];
	[tilespmem:s10], [sflag:$0x1] =	stream.indirect.gather.add.f32 [hbm:s4], $0x80, s23, s9, $0xb8  }
0xbb: {  	s24 =	sadd.s32 $0x180, s16  }
0xbc: {  	v5 =	vld [tilespmem:s16+$0x180];
	[tilespmem:s10], [sflag:$0x1] =	stream.indirect.gather.add.f32 [hbm:s4], $0x80, s24, s9, $0xb8  }
0xbd: {  	s25 =	sadd.s32 $0x200, s16  }
0xbe: {  	v6 =	vld [tilespmem:s16+$0x200];
	[tilespmem:s10], [sflag:$0x1] =	stream.indirect.gather.add.f32 [hbm:s4], $0x80, s25, s9, $0xb8  }
0xbf: {  	s26 =	sadd.s32 $0x280, s16  }
0xc0: {  	v7 =	vld [tilespmem:s16+$0x280];
	[tilespmem:s10], [sflag:$0x1] =	stream.indirect.gather.add.f32 [hbm:s4], $0x80, s26, s9, $0xb8  }
0xc1: {  	s28 =	sadd.s32 $0x300, s16  }
0xc2: {  	v8 =	vld [tilespmem:s16+$0x300];
	[tilespmem:s10], [sflag:$0x1] =	stream.indirect.gather.add.f32 [hbm:s4], $0x80, s28, s9, $0xb8  }
0xc3: {  	s29 =	sadd.s32 $0x380, s16  }
0xc4: {  	v9 =	vld [tilespmem:s16+$0x380];
	[tilespmem:s10], [sflag:$0x1] =	stream.indirect.gather.add.f32 [hbm:s4], $0x80, s29, s9, $0xb8  }
0xc5: {  	s30 =	sadd.s32 $0x400, s16  }
0xc6: {  	v10 =	vld [tilespmem:s16+$0x400];
	[tilespmem:s10], [sflag:$0x1] =	stream.indirect.gather.add.f32 [hbm:s4], $0x80, s30, s9, $0xb8  }
0xc7: {  	s31 =	sadd.s32 $0x480, s16  }
0xc8: {  	v11 =	vld [tilespmem:s16+$0x480];
	[tilespmem:s10], [sflag:$0x1] =	stream.indirect.gather.add.f32 [hbm:s4], $0x80, s31, s9, $0xb8  }
0xc9: {  	_ =	swait.ge [sflag:s11], $0x800  }
0xca: {  	[sflag:s11] =	ssyncset.done $0x0  }
0xcb: {  	[sflag:s11] =	ssyncadd.s32 $0xFFFFF800  }
0xcc: {  	_ =	swait.ge [sflag:s11], $0x800  }
0xcd: {  	vm0 =	veq.s32 v2, $0x0;
	[sflag:s11] =	ssyncset.done $0x0  }
0xce: {  	v2 =	vsel vm0, $0x0, v0;
	[sflag:s11] =	ssyncadd.s32 $0xFFFFF800  }
0xcf: {  	vm7 =	veq.s32 v3, $0x0;
	v1 =	vadd.f32 v2, v1;
	_ =	swait.ge [sflag:s11], $0x800  }
0xd0: {  	v2 =	vsel vm7, $0x0, v0;
	[sflag:s11] =	ssyncset.done $0x0  }
0xd1: {  	vm8 =	veq.s32 v4, $0x0;
	v1 =	vadd.f32 v2, v1;
	[sflag:s11] =	ssyncadd.s32 $0xFFFFF800  }
0xd2: {  	v2 =	vsel vm8, $0x0, v0;
	_ =	swait.ge [sflag:s11], $0x800  }
0xd3: {  	vm9 =	veq.s32 v5, $0x0;
	v1 =	vadd.f32 v2, v1;
	[sflag:s11] =	ssyncset.done $0x0  }
0xd4: {  	v2 =	vsel vm9, $0x0, v0;
	[sflag:s11] =	ssyncadd.s32 $0xFFFFF800  }
0xd5: {  	vm10 =	veq.s32 v6, $0x0;
	v1 =	vadd.f32 v2, v1;
	_ =	swait.ge [sflag:s11], $0x800  }
0xd6: {  	v2 =	vsel vm10, $0x0, v0;
	[sflag:s11] =	ssyncset.done $0x0  }
0xd7: {  	vm11 =	veq.s32 v7, $0x0;
	v1 =	vadd.f32 v2, v1;
	[sflag:s11] =	ssyncadd.s32 $0xFFFFF800  }
0xd8: {  	v2 =	vsel vm11, $0x0, v0;
	_ =	swait.ge [sflag:s11], $0x800  }
0xd9: {  	vm12 =	veq.s32 v8, $0x0;
	v1 =	vadd.f32 v2, v1;
	[sflag:s11] =	ssyncset.done $0x0  }
0xda: {  	v2 =	vsel vm12, $0x0, v0;
	[sflag:s11] =	ssyncadd.s32 $0xFFFFF800  }
0xdb: {  	vm13 =	veq.s32 v9, $0x0;
	v1 =	vadd.f32 v2, v1;
	_ =	swait.ge [sflag:s11], $0x800  }
0xdc: {  	v2 =	vsel vm13, $0x0, v0;
	[sflag:s11] =	ssyncset.done $0x0  }
0xdd: {  	vm14 =	veq.s32 v10, $0x0;
	v1 =	vadd.f32 v2, v1;
	[sflag:s11] =	ssyncadd.s32 $0xFFFFF800  }
0xde: {  	v2 =	vsel vm14, $0x0, v0;
	_ =	swait.ge [sflag:s11], $0x800  }
0xdf: {  	vm15 =	veq.s32 v11, $0x0;
	v1 =	vadd.f32 v2, v1;
	[sflag:s11] =	ssyncset.done $0x0  }
0xe0: {  	v2 =	vsel vm15, $0x0, v0;
	[sflag:s11] =	ssyncadd.s32 $0xFFFFF800  }
0xe1: {  	v1 =	vadd.f32 v2, v1;
	_ =	swait.ge [sflag:s11], $0x800  }
0xe2: {  	[sflag:s11] =	ssyncset.done $0x0  }
0xe3: {  	v1 =	vadd.f32 $9.999999930e-09, v1;
	[sflag:s11] =	ssyncadd.s32 $0xFFFFF800  }
0xe4: {  	_ =	swait.ge [sflag:s11], $0x800  }
0xe5: {  	(erf) = vrcp.f32 v1;
	_ =	sdelay $0x4  }
0xe6: {  	[sflag:s11] =	ssyncset.done $0x0  }
0xe7: {  	[sflag:s11] =	ssyncadd.s32 $0xFFFFF800  }
0xe8: {  	v2 =	vld [tilespmem:$0x1C00]  }
0xe9: {  	v3 =	vld [tilespmem:$0x1C10]  }
0xea: {  	v39 =	vld [tilespmem:$0x1C20];
	v1 =	vpop (erf)  }
0xeb: {  	v41 =	vld [tilespmem:$0x1C30];
	v40 =	vbroadcast v1, $0x0  }
0xec: {  	v42 =	vld [tilespmem:$0x1C80]  }
0xed: {  	v43 =	vld [tilespmem:$0x1C90];
	v2 =	vmul.f32 v2, v40  }
0xee: {  	v44 =	vld [tilespmem:$0x1CA0];
	v3 =	vmul.f32 v3, v40  }
0xef: {  	v46 =	vld [tilespmem:$0x1CB0];
	v45 =	vbroadcast v1, $0x1;
	[tilespmem:$0x2400] =	vst v2;
	v2 =	vmul.f32 v39, v40  }
0xf0: {  	v47 =	vld [tilespmem:$0x1D00];
	[tilespmem:$0x2410] =	vst v3;
	v3 =	vmul.f32 v41, v40  }
0xf1: {  	v48 =	vld [tilespmem:$0x1D10];
	[tilespmem:$0x2420] =	vst v2;
	v2 =	vmul.f32 v42, v45  }
0xf2: {  	v49 =	vld [tilespmem:$0x1D20];
	[tilespmem:$0x2430] =	vst v3;
	v3 =	vmul.f32 v43, v45  }
0xf3: {  	v51 =	vld [tilespmem:$0x1D30];
	v50 =	vbroadcast v1, $0x2;
	[tilespmem:$0x2480] =	vst v2;
	v2 =	vmul.f32 v44, v45  }
0xf4: {  	v52 =	vld [tilespmem:$0x1D80];
	[tilespmem:$0x2490] =	vst v3;
	v3 =	vmul.f32 v46, v45  }
0xf5: {  	v53 =	vld [tilespmem:$0x1D90];
	[tilespmem:$0x24A0] =	vst v2;
	v2 =	vmul.f32 v47, v50  }
0xf6: {  	v54 =	vld [tilespmem:$0x1DA0];
	[tilespmem:$0x24B0] =	vst v3;
	v3 =	vmul.f32 v48, v50  }
0xf7: {  	v56 =	vld [tilespmem:$0x1DB0];
	v55 =	vbroadcast v1, $0x3;
	[tilespmem:$0x2500] =	vst v2;
	v2 =	vmul.f32 v49, v50  }
0xf8: {  	v57 =	vld [tilespmem:$0x1E00];
	[tilespmem:$0x2510] =	vst v3;
	v3 =	vmul.f32 v51, v50  }
0xf9: {  	v58 =	vld [tilespmem:$0x1E10];
	[tilespmem:$0x2520] =	vst v2;
	v2 =	vmul.f32 v52, v55  }
0xfa: {  	v59 =	vld [tilespmem:$0x1E20];
	[tilespmem:$0x2530] =	vst v3;
	v3 =	vmul.f32 v53, v55  }
0xfb: {  	v61 =	vld [tilespmem:$0x1E30];
	v60 =	vbroadcast v1, $0x4;
	[tilespmem:$0x2580] =	vst v2;
	v2 =	vmul.f32 v54, v55  }
0xfc: {  	v62 =	vld [tilespmem:$0x1E80];
	[tilespmem:$0x2590] =	vst v3;
	v3 =	vmul.f32 v56, v55  }
0xfd: {  	v63 =	vld [tilespmem:$0x1E90];
	[tilespmem:$0x25A0] =	vst v2;
	v2 =	vmul.f32 v57, v60  }
0xfe: {  	v12 =	vld [tilespmem:$0x1EA0];
	[tilespmem:$0x25B0] =	vst v3;
	v3 =	vmul.f32 v58, v60  }
0xff: {  	v14 =	vld [tilespmem:$0x1EB0];
	v13 =	vbroadcast v1, $0x5;
	[tilespmem:$0x2600] =	vst v2;
	v2 =	vmul.f32 v59, v60  }
0x100: {  	v15 =	vld [tilespmem:$0x1F00];
	[tilespmem:$0x2610] =	vst v3;
	v3 =	vmul.f32 v61, v60  }
0x101: {  	v16 =	vld [tilespmem:$0x1F10];
	[tilespmem:$0x2620] =	vst v2;
	v2 =	vmul.f32 v62, v13  }
0x102: {  	v17 =	vld [tilespmem:$0x1F20];
	[tilespmem:$0x2630] =	vst v3;
	v3 =	vmul.f32 v63, v13  }
0x103: {  	v19 =	vld [tilespmem:$0x1F30];
	v18 =	vbroadcast v1, $0x6;
	[tilespmem:$0x2680] =	vst v2;
	v2 =	vmul.f32 v12, v13  }
0x104: {  	v20 =	vld [tilespmem:$0x1F80];
	[tilespmem:$0x2690] =	vst v3;
	v3 =	vmul.f32 v14, v13  }
0x105: {  	v21 =	vld [tilespmem:$0x1F90];
	[tilespmem:$0x26A0] =	vst v2;
	v2 =	vmul.f32 v15, v18  }
0x106: {  	v22 =	vld [tilespmem:$0x1FA0];
	[tilespmem:$0x26B0] =	vst v3;
	v3 =	vmul.f32 v16, v18  }
0x107: {  	v24 =	vld [tilespmem:$0x1FB0];
	v23 =	vbroadcast v1, $0x7;
	[tilespmem:$0x2700] =	vst v2;
	v2 =	vmul.f32 v17, v18  }
0x108: {  	v25 =	vld [tilespmem:$0x2000];
	[tilespmem:$0x2710] =	vst v3;
	v3 =	vmul.f32 v19, v18  }
0x109: {  	v26 =	vld [tilespmem:$0x2010];
	[tilespmem:$0x2720] =	vst v2;
	v2 =	vmul.f32 v20, v23  }
0x10a: {  	v27 =	vld [tilespmem:$0x2020];
	[tilespmem:$0x2730] =	vst v3;
	v3 =	vmul.f32 v21, v23  }
0x10b: {  	v29 =	vld [tilespmem:$0x2030];
	v28 =	vbroadcast v1, $0x8;
	[tilespmem:$0x2780] =	vst v2;
	v2 =	vmul.f32 v22, v23  }
0x10c: {  	v30 =	vld [tilespmem:$0x2080];
	[tilespmem:$0x2790] =	vst v3;
	v3 =	vmul.f32 v24, v23  }
0x10d: {  	v31 =	vld [tilespmem:$0x2090];
	[tilespmem:$0x27A0] =	vst v2;
	v2 =	vmul.f32 v25, v28  }
0x10e: {  	v32 =	vld [tilespmem:$0x20A0];
	[tilespmem:$0x27B0] =	vst v3;
	v3 =	vmul.f32 v26, v28  }
0x10f: {  	v34 =	vld [tilespmem:$0x20B0];
	v33 =	vbroadcast v1, $0x9;
	[tilespmem:$0x2800] =	vst v2;
	v2 =	vmul.f32 v27, v28  }
0x110: {  	v35 =	vld [tilespmem:$0x2100];
	[tilespmem:$0x2810] =	vst v3;
	v3 =	vmul.f32 v29, v28  }
0x111: {  	v36 =	vld [tilespmem:$0x2110];
	[tilespmem:$0x2820] =	vst v2;
	v2 =	vmul.f32 v30, v33  }
0x112: {  	v37 =	vld [tilespmem:$0x2120];
	[tilespmem:$0x2830] =	vst v3;
	v3 =	vmul.f32 v31, v33  }
0x113: {  	v38 =	vbroadcast v1, $0xA;
	v39 =	vld [tilespmem:$0x2130];
	[tilespmem:$0x2880] =	vst v2;
	v2 =	vmul.f32 v32, v33  }
0x114: {  	v40 =	vld [tilespmem:$0x2180];
	[tilespmem:$0x2890] =	vst v3;
	v3 =	vmul.f32 v34, v33  }
0x115: {  	v41 =	vld [tilespmem:$0x2190];
	[tilespmem:$0x28A0] =	vst v2;
	v2 =	vmul.f32 v35, v38  }
0x116: {  	v42 =	vld [tilespmem:$0x21A0];
	[tilespmem:$0x28B0] =	vst v3;
	v3 =	vmul.f32 v36, v38  }
0x117: {  	v43 =	vbroadcast v1, $0xB;
	v44 =	vld [tilespmem:$0x21B0];
	[tilespmem:$0x2900] =	vst v2;
	v2 =	vmul.f32 v37, v38  }
0x118: {  	v45 =	vld [tilespmem:$0x2200];
	[tilespmem:$0x2910] =	vst v3;
	v3 =	vmul.f32 v39, v38  }
0x119: {  	v46 =	vld [tilespmem:$0x2210];
	[tilespmem:$0x2920] =	vst v2;
	v2 =	vmul.f32 v40, v43  }
0x11a: {  	v47 =	vld [tilespmem:$0x2220];
	[tilespmem:$0x2930] =	vst v3;
	v3 =	vmul.f32 v41, v43  }
0x11b: {  	v48 =	vbroadcast v1, $0xC;
	v49 =	vld [tilespmem:$0x2230];
	[tilespmem:$0x2980] =	vst v2;
	v2 =	vmul.f32 v42, v43  }
0x11c: {  	v50 =	vld [tilespmem:$0x2280];
	[tilespmem:$0x2990] =	vst v3;
	v3 =	vmul.f32 v44, v43  }
0x11d: {  	v51 =	vld [tilespmem:$0x2290];
	[tilespmem:$0x29A0] =	vst v2;
	v2 =	vmul.f32 v45, v48  }
0x11e: {  	v52 =	vld [tilespmem:$0x22A0];
	[tilespmem:$0x29B0] =	vst v3;
	v3 =	vmul.f32 v46, v48  }
0x11f: {  	v53 =	vbroadcast v1, $0xD;
	v54 =	vld [tilespmem:$0x22B0];
	[tilespmem:$0x2A00] =	vst v2;
	v2 =	vmul.f32 v47, v48  }
0x120: {  	v55 =	vld [tilespmem:$0x2300];
	[tilespmem:$0x2A10] =	vst v3;
	v3 =	vmul.f32 v49, v48  }
0x121: {  	v56 =	vld [tilespmem:$0x2310];
	[tilespmem:$0x2A20] =	vst v2;
	v2 =	vmul.f32 v50, v53  }
0x122: {  	v57 =	vld [tilespmem:$0x2320];
	[tilespmem:$0x2A30] =	vst v3;
	v3 =	vmul.f32 v51, v53  }
0x123: {  	v58 =	vbroadcast v1, $0xE;
	v59 =	vld [tilespmem:$0x2330];
	[tilespmem:$0x2A80] =	vst v2;
	v2 =	vmul.f32 v52, v53  }
0x124: {  	v60 =	vld [tilespmem:$0x2380];
	[tilespmem:$0x2A90] =	vst v3;
	v3 =	vmul.f32 v54, v53  }
0x125: {  	v61 =	vld [tilespmem:$0x2390];
	[tilespmem:$0x2AA0] =	vst v2;
	v2 =	vmul.f32 v55, v58  }
0x126: {  	v62 =	vld [tilespmem:$0x23A0];
	[tilespmem:$0x2AB0] =	vst v3;
	v3 =	vmul.f32 v56, v58  }
0x127: {  	v1 =	vbroadcast v1, $0xF;
	v63 =	vld [tilespmem:$0x23B0];
	[tilespmem:$0x2B00] =	vst v2;
	v2 =	vmul.f32 v57, v58  }
0x128: {  	[tilespmem:$0x2B10] =	vst v3;
	v3 =	vmul.f32 v59, v58  }
0x129: {  	[tilespmem:$0x2B20] =	vst v2;
	v2 =	vmul.f32 v60, v1  }
0x12a: {  	[tilespmem:$0x2B30] =	vst v3;
	v3 =	vmul.f32 v61, v1  }
0x12b: {  	[tilespmem:$0x2B80] =	vst v2;
	v2 =	vmul.f32 v62, v1  }
0x12c: {  	s14 =	sadd.s32 $0x1, s14;
	[tilespmem:$0x2B90] =	vst v3;
	v1 =	vmul.f32 v63, v1  }
0x12d: {  	s15 =	sshll.u32 s15, $0x8;
	p0 =	sne.s32 s14, $0x20;
	[tilespmem:$0x2BA0] =	vst v2  }
.Ltmp1:
0x12e: {  	s15 =	sadd.s32 s5, s15;
	[tilespmem:$0x2BB0] =	vst v1;
	(pc) =	sbr.rel @p0 .LBB2_2-.Ltmp1, $4  }
0x12f: {  	[hbm4b:s15+s1] =	stream.linear.scatter [tilespmem:s12], [sflag:$0x2], $0x800, $0x38;
	[tilespmem:$0x2C00] =	vst v63  }
0x130: {  	_ =	swait.ge [sflag:s8], $0x800  }
0x131: {  	[sflag:s8] =	ssyncset.done $0x0  }
0x132: {  	[sflag:s8] =	ssyncadd.s32 $0xFFFFF800  }
0x133: {  	s13 =	sadd.s32 $0x1, s13  }
0x134: {  	p0 =	sne.s32 s13, s7  }
.Ltmp2:
0x135: {  	_ = 	snop;
	(pc) =	sbr.rel @p0 .LBB2_1-.Ltmp2, $1  }
0x136: {  	_ =	sdelay $0x3  }
0x137: {  	_ =	sfence.sel $0x180000  }
0x138: {  	[bflag:$0x0] =	sbarrier.arrive $0xFFFF  }
0x139: {  	p0 =	sne.s32 s2, $0x0;
	_ =	strace $0x90000047  }
0x13a: {  	s0 =	sadd.s32 @!p0 $0x100000, s0;
	[bflag:$0x2] =	sbarrier.arrive $0xFFFF  }
0x13b: {  	[sflag:s0] =	ssyncadd.tile.s32 @!p0 $0x1;
	_ =	shalt  }
.Lfunc_end2:
_tile_overlayer_lowered:
.L_overlay_start_2:
0x13c: {  	(tag) =	ssettag $0x2  }
0x13d: {  	s0 =	rddreg [dreg:$0x0];
	s2 =	stileid.u32  }
0x13e: {  	s1 =	rddreg [dreg:$0x1];
	p0 =	sne.s32 s2, $0x0  }
0x13f: {  	s3 =	rddreg [dreg:$0x2];
	[bflag:$0x3] =	sbarrier.arrive $0xFFFF;
	s2 =	simm.s32 @!p0 $0x1C02  }
0x140: {  	[timem:s3], [sflag:s2] =	dma.local @!p0 [hbm:s0], s1  }
0x141: {  	s0 =	simm.s32 @!p0 $0x2  }
0x142: {  	_ =	swait.ge @!p0 [sflag:s0], s1  }
0x143: {  	s1 =	ssub.s32 @!p0 $0x0, s1;
	[sflag:s0] =	ssyncset.done @!p0 $0x0  }
0x144: {  	[sflag:s0] =	ssyncadd.s32 @!p0 s1  }
0x145: {  	[bflag:$0x3] =	sbarrier.arrive $0xFFFF  }
0x146: {  	_ =	shalt  }

</sc_bundles>
